<compile_context>
chip_gen: v7x
topology: tpu7x:2x2x1
jax: 0.10.2.dev20260603
libtpu: 0.0.44.dev20260713+nightly
codegen_flags: <defaults>
</compile_context>

<pallas_src>
import functools

import jax
import jax.numpy as jnp
from jax import lax
from jax.experimental import pallas as pl
from jax.experimental.pallas import tpu as pltpu
from jax.experimental.pallas import tpu_sc as plsc

N_NODES = 100000
EMB_DIM = 64
N_ROWS = 1000001

TBLK = 32768
TGRID = -(-N_ROWS // TBLK)
ROWS_PAD = TGRID * TBLK
FLAT = ROWS_PAD * EMB_DIM
HALF_SHIFT = (TBLK // 2).bit_length() - 1

NUM_CORES = 2
NUM_SUBCORES = 16
NW = NUM_CORES * NUM_SUBCORES
B_PER_W = 3136
HB_PER_W = B_PER_W // 2
HCHUNKS = (392, 392, 392, 392)
CHUNK_MAX = 392


def _transpose_body(src_ref, dst_ref):
    x = src_ref[...]
    xx = jnp.concatenate([x[:, :TBLK // 2], x[:, TBLK // 2:]], axis=0)
    dst_ref[...] = xx.T


_tc_transpose = pl.pallas_call(
    _transpose_body,
    grid=(TGRID,),
    in_specs=[pl.BlockSpec((EMB_DIM, TBLK), lambda k: (0, k))],
    out_specs=pl.BlockSpec((TBLK // 2, 2 * EMB_DIM), lambda k: (k, 0)),
    out_shape=jax.ShapeDtypeStruct((FLAT // 128, 128), jnp.float32),
)


def _gather_body(idx_hbm, table_hbm, out_hbm, idx_v, buf0, buf1, sem0, sem1):
    wid = lax.axis_index("s") * NUM_CORES + lax.axis_index("c")
    base = jnp.minimum(wid * B_PER_W, N_NODES - B_PER_W)
    h = pl.multiple_of(base // 2, 8)
    pltpu.sync_copy(idx_hbm.at[pl.ds(h, HB_PER_W)], idx_v.at[pl.ds(0, HB_PER_W)])
    pltpu.sync_copy(idx_hbm.at[pl.ds(N_NODES // 2 + h, HB_PER_W)],
                    idx_v.at[pl.ds(HB_PER_W, HB_PER_W)])
    bufs = (buf0, buf1)
    sems = (sem0, sem1)
    offs = [0]
    for c in HCHUNKS:
        offs.append(offs[-1] + c)
    njobs = 2 * len(HCHUNKS)

    def job(j):
        par = j % 2
        c = j // 2
        return par, offs[c], HCHUNKS[c]

    copies = [None, None]

    def start(j, slot):
        par, off, sz = job(j)
        copies[slot] = pltpu.async_copy(
            table_hbm.at[idx_v.at[pl.ds(par * HB_PER_W + off, sz)]],
            bufs[slot].at[pl.ds(0, sz)], sems[slot])

    start(0, 0)
    for j in range(njobs):
        cur = j % 2
        if j + 1 < njobs:
            start(j + 1, (j + 1) % 2)
        par, off, sz = job(j)
        copies[cur].wait()
        pltpu.sync_copy(
            bufs[cur].at[pl.ds(0, sz)],
            out_hbm.at[pl.ds(h + off, sz),
                       pl.ds(par * EMB_DIM, EMB_DIM)])


@functools.partial(
    pl.kernel,
    mesh=plsc.VectorSubcoreMesh(core_axis_name="c", subcore_axis_name="s"),
    out_type=jax.ShapeDtypeStruct((N_NODES // 2, 2 * EMB_DIM), jnp.float32),
    scratch_types=[
        pltpu.VMEM((B_PER_W,), jnp.int32),
        pltpu.VMEM((CHUNK_MAX, EMB_DIM), jnp.float32),
        pltpu.VMEM((CHUNK_MAX, EMB_DIM), jnp.float32),
        pltpu.SemaphoreType.DMA,
        pltpu.SemaphoreType.DMA,
    ],
    compiler_params=pltpu.CompilerParams(use_tc_tiling_on_sc=False),
)
def _sc_gather(idx_hbm, table_hbm, out_hbm, idx_v, buf0, buf1, sem0, sem1):
    _gather_body(idx_hbm, table_hbm, out_hbm, idx_v, buf0, buf1, sem0, sem1)


def kernel(x, table):
    idx = x.reshape(-1)
    slot = ((idx & ~(TBLK - 1)) + ((idx & (TBLK // 2 - 1)) << 1)
            + ((idx >> HALF_SHIFT) & 1))
    slot2 = jnp.concatenate([slot[0::2], slot[1::2]])
    flat = _tc_transpose(table.T)
    tbl = flat.reshape(ROWS_PAD, EMB_DIM)
    out2 = _sc_gather(slot2, tbl)
    return out2.reshape(N_NODES, EMB_DIM)

# --- scband reference (transcript-rebuilt; emitter-appended) ---
"""Pipeline reference for scband-graph-embedding-38345468018803 (READ-ONLY COPY).

The authoritative reference and input builder live on the scoring server;
editing this copy changes nothing except your own understanding.
"""

import jax, jax.numpy as jnp
import numpy as np

NUM_ENTITIES = 1000000
EMB_DIM = 64
N_NODES = 100000

def setup_inputs(seed: int = 0) -> dict:
    key = jax.random.key(seed)
    k_idx, k_tab = jax.random.split(key)
    # node entity ids, shape [N, 1] like torch-geometric batch.x before squeeze(-2)
    x = jax.random.randint(k_idx, (N_NODES, 1), 0, NUM_ENTITIES, dtype=jnp.int32)
    # embedding table with padding_idx=0 row zeroed, size num_entities + 1
    table = jax.random.normal(k_tab, (NUM_ENTITIES + 1, EMB_DIM), dtype=jnp.float32)
    table = table.at[0].set(0.0)
    return {"x": x, "table": table}

def reference(x, table):
    # graph_embedding.forward: self.entity_emb(g_batch.x).squeeze(-2)
    emb = jnp.take(table, x, axis=0)      # [N, 1, D]
    out = jnp.squeeze(emb, axis=-2)       # [N, D]
    return out

if __name__ == "__main__":
    import jax
    _d = setup_inputs()
    print(jax.jit(kernel)(*tuple(_d.values())))

</pallas_src>

<mosaic_0001>
#map = affine_map<(d0, d1) -> (0)>
#map1 = affine_map<(d0, d1) -> (0, 0)>
module attributes {stable_mosaic.version = 14 : i64} {
  func.func @_sc_gather(%arg0: i32, %arg1: i32, %arg2: memref<100000xi32, #tpu.memory_space<hbm>>, %arg3: memref<1015808x64xf32, #tpu.memory_space<hbm>>, %arg4: memref<50000x128xf32, #tpu.memory_space<hbm>>, %arg5: memref<3136xi32, #tpu.memory_space<vmem>>, %arg6: memref<392x64xf32, #tpu.memory_space<vmem>>, %arg7: memref<392x64xf32, #tpu.memory_space<vmem>>, %arg8: memref<!tpu.dma_semaphore, #tpu.memory_space<semaphore_mem>>, %arg9: memref<!tpu.dma_semaphore, #tpu.memory_space<semaphore_mem>>) attributes {dimension_semantics = [#tpu.dimension_semantics<core_parallel>, #tpu.dimension_semantics<subcore_parallel>], iteration_bounds = array<i64: 2, 16>, scalar_prefetch = 0 : i64, scratch_operands = 5 : i64, tpu.core_type = #tpu.core_type<sc_vector_subcore>, window_params = [{transform_indices = #map}, {transform_indices = #map1}, {transform_indices = #map1}]} {
    %mul3A = arith.constant 2 : i32
    %mul3A_0 = arith.muli %arg1, %mul3A : i32
    %add3A = arith.addi %mul3A_0, %arg0 : i32
    %mul3A_1 = arith.constant 3136 : i32
    %mul3A_2 = arith.muli %add3A, %mul3A_1 : i32
    %min3A = arith.constant 96864 : i32
    %min3A_3 = arith.minsi %mul3A_2, %min3A : i32
    %jit3A = arith.constant 2 : i32
    %div3A = arith.divsi %min3A_3, %jit3A : i32
    %sign3A = arith.constant 0 : i32
    %sign3A_4 = arith.cmpi sgt, %min3A_3, %sign3A : i32
    %sign3A_5 = arith.extui %sign3A_4 : i1 to i32
    %sign3A_6 = arith.constant 0 : i32
    %sign3A_7 = arith.cmpi slt, %min3A_3, %sign3A_6 : i32
    %sign3A_8 = arith.extui %sign3A_7 : i1 to i32
    %sign3A_9 = arith.subi %sign3A_5, %sign3A_8 : i32
    %sign3A_10 = arith.constant 0 : i32
    %sign3A_11 = arith.cmpi sgt, %jit3A, %sign3A_10 : i32
    %sign3A_12 = arith.extui %sign3A_11 : i1 to i32
    %sign3A_13 = arith.constant 0 : i32
    %sign3A_14 = arith.cmpi slt, %jit3A, %sign3A_13 : i32
    %sign3A_15 = arith.extui %sign3A_14 : i1 to i32
    %sign3A_16 = arith.subi %sign3A_12, %sign3A_15 : i32
    %ne3A = arith.cmpi ne, %sign3A_9, %sign3A_16 : i32
    %rem3A = arith.remsi %min3A_3, %jit3A : i32
    %ne3A_17 = arith.constant 0 : i32
    %ne3A_18 = arith.cmpi ne, %rem3A, %ne3A_17 : i32
    %and3A = arith.andi %ne3A, %ne3A_18 : i1
    %sub3A = arith.constant 1 : i32
    %sub3A_19 = arith.subi %div3A, %sub3A : i32
    %select_n3A = arith.select %and3A, %sub3A_19, %div3A : i32
    %multiple_of3A = tpu.assume_multiple %select_n3A, 8 : i32
    "tpu.region"() ({
      %run_scoped3A = tpu.sem_alloc : memref<!tpu.dma_semaphore, #tpu.memory_space<semaphore_mem>>
      %dma_start3A_164 = arith.constant 0 : i32
      %dma_start3A_165 = tpu.memref_slice %arg5[%dma_start3A_164] : memref<3136xi32, #tpu.memory_space<vmem>> -> memref<1568xi32, #tpu.memory_space<vmem>>
      %dma_start3A_166 = tpu.memref_slice %arg2[%multiple_of3A] : memref<100000xi32, #tpu.memory_space<hbm>> -> memref<1568xi32, #tpu.memory_space<hbm>>
      %dma_start3A_167 = arith.constant 0 : i32
      %dma_start3A_168 = tpu.memref_slice %arg5[%dma_start3A_167] : memref<3136xi32, #tpu.memory_space<vmem>> -> memref<1568xi32, #tpu.memory_space<vmem>>
      %dma_start3A_169 = tpu.memref_slice %arg2[%multiple_of3A] : memref<100000xi32, #tpu.memory_space<hbm>> -> memref<1568xi32, #tpu.memory_space<hbm>>
      tpu.enqueue_dma source(%dma_start3A_169 : memref<1568xi32, #tpu.memory_space<hbm>>) target(%dma_start3A_168 : memref<1568xi32, #tpu.memory_space<vmem>>) target_semaphore(%run_scoped3A : memref<!tpu.dma_semaphore, #tpu.memory_space<semaphore_mem>>)
      %dma_wait3A_170 = arith.constant 0 : i32
      %dma_wait3A_171 = tpu.memref_slice %arg5[%dma_wait3A_170] : memref<3136xi32, #tpu.memory_space<vmem>> -> memref<1568xi32, #tpu.memory_space<vmem>>
      %dma_wait3A_172 = tpu.memref_slice %arg2[%multiple_of3A] : memref<100000xi32, #tpu.memory_space<hbm>> -> memref<1568xi32, #tpu.memory_space<hbm>>
      %dma_wait3A_173 = arith.constant 0 : i32
      %dma_wait3A_174 = tpu.memref_slice %arg5[%dma_wait3A_173] : memref<3136xi32, #tpu.memory_space<vmem>> -> memref<1568xi32, #tpu.memory_space<vmem>>
      %dma_wait3A_175 = tpu.memref_slice %arg2[%multiple_of3A] : memref<100000xi32, #tpu.memory_space<hbm>> -> memref<1568xi32, #tpu.memory_space<hbm>>
      tpu.wait_dma2 semaphore(%run_scoped3A : memref<!tpu.dma_semaphore, #tpu.memory_space<semaphore_mem>>) src(%dma_wait3A_175 : memref<1568xi32, #tpu.memory_space<hbm>>) dst(%dma_wait3A_174 : memref<1568xi32, #tpu.memory_space<vmem>>)
      tpu.yield
    }) : () -> ()
    %add3A_20 = arith.constant 50000 : i32
    %add3A_21 = arith.addi %add3A_20, %multiple_of3A : i32
    "tpu.region"() ({
      %run_scoped3A = tpu.sem_alloc : memref<!tpu.dma_semaphore, #tpu.memory_space<semaphore_mem>>
      %dma_start3A_164 = arith.constant 1568 : i32
      %dma_start3A_165 = tpu.memref_slice %arg5[%dma_start3A_164] : memref<3136xi32, #tpu.memory_space<vmem>> -> memref<1568xi32, #tpu.memory_space<vmem>>
      %dma_start3A_166 = tpu.memref_slice %arg2[%add3A_21] : memref<100000xi32, #tpu.memory_space<hbm>> -> memref<1568xi32, #tpu.memory_space<hbm>>
      %dma_start3A_167 = arith.constant 1568 : i32
      %dma_start3A_168 = tpu.memref_slice %arg5[%dma_start3A_167] : memref<3136xi32, #tpu.memory_space<vmem>> -> memref<1568xi32, #tpu.memory_space<vmem>>
      %dma_start3A_169 = tpu.memref_slice %arg2[%add3A_21] : memref<100000xi32, #tpu.memory_space<hbm>> -> memref<1568xi32, #tpu.memory_space<hbm>>
      tpu.enqueue_dma source(%dma_start3A_169 : memref<1568xi32, #tpu.memory_space<hbm>>) target(%dma_start3A_168 : memref<1568xi32, #tpu.memory_space<vmem>>) target_semaphore(%run_scoped3A : memref<!tpu.dma_semaphore, #tpu.memory_space<semaphore_mem>>)
      %dma_wait3A_170 = arith.constant 1568 : i32
      %dma_wait3A_171 = tpu.memref_slice %arg5[%dma_wait3A_170] : memref<3136xi32, #tpu.memory_space<vmem>> -> memref<1568xi32, #tpu.memory_space<vmem>>
      %dma_wait3A_172 = tpu.memref_slice %arg2[%add3A_21] : memref<100000xi32, #tpu.memory_space<hbm>> -> memref<1568xi32, #tpu.memory_space<hbm>>
      %dma_wait3A_173 = arith.constant 1568 : i32
      %dma_wait3A_174 = tpu.memref_slice %arg5[%dma_wait3A_173] : memref<3136xi32, #tpu.memory_space<vmem>> -> memref<1568xi32, #tpu.memory_space<vmem>>
      %dma_wait3A_175 = tpu.memref_slice %arg2[%add3A_21] : memref<100000xi32, #tpu.memory_space<hbm>> -> memref<1568xi32, #tpu.memory_space<hbm>>
      tpu.wait_dma2 semaphore(%run_scoped3A : memref<!tpu.dma_semaphore, #tpu.memory_space<semaphore_mem>>) src(%dma_wait3A_175 : memref<1568xi32, #tpu.memory_space<hbm>>) dst(%dma_wait3A_174 : memref<1568xi32, #tpu.memory_space<vmem>>)
      tpu.yield
    }) : () -> ()
    %dma_start3A = arith.constant 0 : i32
    %dma_start3A_22 = arith.constant 0 : i32
    %dma_start3A_23 = tpu.memref_slice %arg6[%dma_start3A, %dma_start3A_22] : memref<392x64xf32, #tpu.memory_space<vmem>> -> memref<392x64xf32, #tpu.memory_space<vmem>>
    %dma_start3A_24 = arith.constant 0 : i32
    %dma_start3A_25 = tpu.memref_slice %arg5[%dma_start3A_24] : memref<3136xi32, #tpu.memory_space<vmem>> -> memref<392xi32, #tpu.memory_space<vmem>>
    %dma_start3A_26 = arith.constant 0 : i32
    %dma_start3A_27 = arith.constant 0 : i32
    %dma_start3A_28 = tpu.memref_slice %arg3[%dma_start3A_26, %dma_start3A_27] : memref<1015808x64xf32, #tpu.memory_space<hbm>> -> memref<1015808x64xf32, #tpu.memory_space<hbm>>
    tpu.enqueue_indirect_dma source(%dma_start3A_28 : memref<1015808x64xf32, #tpu.memory_space<hbm>>) target(%dma_start3A_23 : memref<392x64xf32, #tpu.memory_space<vmem>>) offsets(%dma_start3A_25 : memref<392xi32, #tpu.memory_space<vmem>>) semaphore(%arg8 : memref<!tpu.dma_semaphore, #tpu.memory_space<semaphore_mem>>)
    %dma_start3A_29 = arith.constant 0 : i32
    %dma_start3A_30 = arith.constant 0 : i32
    %dma_start3A_31 = tpu.memref_slice %arg7[%dma_start3A_29, %dma_start3A_30] : memref<392x64xf32, #tpu.memory_space<vmem>> -> memref<392x64xf32, #tpu.memory_space<vmem>>
    %dma_start3A_32 = arith.constant 1568 : i32
    %dma_start3A_33 = tpu.memref_slice %arg5[%dma_start3A_32] : memref<3136xi32, #tpu.memory_space<vmem>> -> memref<392xi32, #tpu.memory_space<vmem>>
    %dma_start3A_34 = arith.constant 0 : i32
    %dma_start3A_35 = arith.constant 0 : i32
    %dma_start3A_36 = tpu.memref_slice %arg3[%dma_start3A_34, %dma_start3A_35] : memref<1015808x64xf32, #tpu.memory_space<hbm>> -> memref<1015808x64xf32, #tpu.memory_space<hbm>>
    tpu.enqueue_indirect_dma source(%dma_start3A_36 : memref<1015808x64xf32, #tpu.memory_space<hbm>>) target(%dma_start3A_31 : memref<392x64xf32, #tpu.memory_space<vmem>>) offsets(%dma_start3A_33 : memref<392xi32, #tpu.memory_space<vmem>>) semaphore(%arg9 : memref<!tpu.dma_semaphore, #tpu.memory_space<semaphore_mem>>)
    %dma_wait3A = arith.constant 0 : i32
    %dma_wait3A_37 = arith.constant 0 : i32
    %dma_wait3A_38 = tpu.memref_slice %arg6[%dma_wait3A, %dma_wait3A_37] : memref<392x64xf32, #tpu.memory_space<vmem>> -> memref<392x64xf32, #tpu.memory_space<vmem>>
    %dma_wait3A_39 = arith.constant 0 : i32
    %dma_wait3A_40 = tpu.memref_slice %arg5[%dma_wait3A_39] : memref<3136xi32, #tpu.memory_space<vmem>> -> memref<392xi32, #tpu.memory_space<vmem>>
    %dma_wait3A_41 = arith.constant 0 : i32
    %dma_wait3A_42 = arith.constant 0 : i32
    %dma_wait3A_43 = tpu.memref_slice %arg3[%dma_wait3A_41, %dma_wait3A_42] : memref<1015808x64xf32, #tpu.memory_space<hbm>> -> memref<1015808x64xf32, #tpu.memory_space<hbm>>
    tpu.wait_indirect_dma semaphore(%arg8 : memref<!tpu.dma_semaphore, #tpu.memory_space<semaphore_mem>>) src(%dma_wait3A_43 : memref<1015808x64xf32, #tpu.memory_space<hbm>>) dst(%dma_wait3A_38 : memref<392x64xf32, #tpu.memory_space<vmem>>)
    %add3A_44 = arith.constant 0 : i32
    %add3A_45 = arith.addi %multiple_of3A, %add3A_44 : i32
    "tpu.region"() ({
      %run_scoped3A = tpu.sem_alloc : memref<!tpu.dma_semaphore, #tpu.memory_space<semaphore_mem>>
      %dma_start3A_164 = arith.constant 0 : i32
      %dma_start3A_165 = arith.constant 0 : i32
      %dma_start3A_166 = tpu.memref_slice %arg6[%dma_start3A_164, %dma_start3A_165] : memref<392x64xf32, #tpu.memory_space<vmem>> -> memref<392x64xf32, #tpu.memory_space<vmem>>
      %dma_start3A_167 = arith.constant 0 : i32
      %dma_start3A_168 = tpu.memref_slice %arg4[%add3A_45, %dma_start3A_167] : memref<50000x128xf32, #tpu.memory_space<hbm>> -> memref<392x64xf32, #tpu.memory_space<hbm>>
      %dma_start3A_169 = arith.constant 0 : i32
      %dma_start3A_170 = tpu.memref_slice %arg4[%add3A_45, %dma_start3A_169] : memref<50000x128xf32, #tpu.memory_space<hbm>> -> memref<392x64xf32, #tpu.memory_space<hbm>>
      %dma_start3A_171 = arith.constant 0 : i32
      %dma_start3A_172 = arith.constant 0 : i32
      %dma_start3A_173 = tpu.memref_slice %arg6[%dma_start3A_171, %dma_start3A_172] : memref<392x64xf32, #tpu.memory_space<vmem>> -> memref<392x64xf32, #tpu.memory_space<vmem>>
      tpu.enqueue_dma source(%dma_start3A_173 : memref<392x64xf32, #tpu.memory_space<vmem>>) target(%dma_start3A_170 : memref<392x64xf32, #tpu.memory_space<hbm>>) target_semaphore(%run_scoped3A : memref<!tpu.dma_semaphore, #tpu.memory_space<semaphore_mem>>)
      %dma_wait3A_174 = arith.constant 0 : i32
      %dma_wait3A_175 = arith.constant 0 : i32
      %dma_wait3A_176 = tpu.memref_slice %arg6[%dma_wait3A_174, %dma_wait3A_175] : memref<392x64xf32, #tpu.memory_space<vmem>> -> memref<392x64xf32, #tpu.memory_space<vmem>>
      %dma_wait3A_177 = arith.constant 0 : i32
      %dma_wait3A_178 = tpu.memref_slice %arg4[%add3A_45, %dma_wait3A_177] : memref<50000x128xf32, #tpu.memory_space<hbm>> -> memref<392x64xf32, #tpu.memory_space<hbm>>
      %dma_wait3A_179 = arith.constant 0 : i32
      %dma_wait3A_180 = tpu.memref_slice %arg4[%add3A_45, %dma_wait3A_179] : memref<50000x128xf32, #tpu.memory_space<hbm>> -> memref<392x64xf32, #tpu.memory_space<hbm>>
      %dma_wait3A_181 = arith.constant 0 : i32
      %dma_wait3A_182 = arith.constant 0 : i32
      %dma_wait3A_183 = tpu.memref_slice %arg6[%dma_wait3A_181, %dma_wait3A_182] : memref<392x64xf32, #tpu.memory_space<vmem>> -> memref<392x64xf32, #tpu.memory_space<vmem>>
      tpu.wait_dma2 semaphore(%run_scoped3A : memref<!tpu.dma_semaphore, #tpu.memory_space<semaphore_mem>>) src(%dma_wait3A_183 : memref<392x64xf32, #tpu.memory_space<vmem>>) dst(%dma_wait3A_180 : memref<392x64xf32, #tpu.memory_space<hbm>>)
      tpu.yield
    }) : () -> ()
    %dma_start3A_46 = arith.constant 0 : i32
    %dma_start3A_47 = arith.constant 0 : i32
    %dma_start3A_48 = tpu.memref_slice %arg6[%dma_start3A_46, %dma_start3A_47] : memref<392x64xf32, #tpu.memory_space<vmem>> -> memref<392x64xf32, #tpu.memory_space<vmem>>
    %dma_start3A_49 = arith.constant 392 : i32
    %dma_start3A_50 = tpu.memref_slice %arg5[%dma_start3A_49] : memref<3136xi32, #tpu.memory_space<vmem>> -> memref<392xi32, #tpu.memory_space<vmem>>
    %dma_start3A_51 = arith.constant 0 : i32
    %dma_start3A_52 = arith.constant 0 : i32
    %dma_start3A_53 = tpu.memref_slice %arg3[%dma_start3A_51, %dma_start3A_52] : memref<1015808x64xf32, #tpu.memory_space<hbm>> -> memref<1015808x64xf32, #tpu.memory_space<hbm>>
    tpu.enqueue_indirect_dma source(%dma_start3A_53 : memref<1015808x64xf32, #tpu.memory_space<hbm>>) target(%dma_start3A_48 : memref<392x64xf32, #tpu.memory_space<vmem>>) offsets(%dma_start3A_50 : memref<392xi32, #tpu.memory_space<vmem>>) semaphore(%arg8 : memref<!tpu.dma_semaphore, #tpu.memory_space<semaphore_mem>>)
    %dma_wait3A_54 = arith.constant 0 : i32
    %dma_wait3A_55 = arith.constant 0 : i32
    %dma_wait3A_56 = tpu.memref_slice %arg7[%dma_wait3A_54, %dma_wait3A_55] : memref<392x64xf32, #tpu.memory_space<vmem>> -> memref<392x64xf32, #tpu.memory_space<vmem>>
    %dma_wait3A_57 = arith.constant 1568 : i32
    %dma_wait3A_58 = tpu.memref_slice %arg5[%dma_wait3A_57] : memref<3136xi32, #tpu.memory_space<vmem>> -> memref<392xi32, #tpu.memory_space<vmem>>
    %dma_wait3A_59 = arith.constant 0 : i32
    %dma_wait3A_60 = arith.constant 0 : i32
    %dma_wait3A_61 = tpu.memref_slice %arg3[%dma_wait3A_59, %dma_wait3A_60] : memref<1015808x64xf32, #tpu.memory_space<hbm>> -> memref<1015808x64xf32, #tpu.memory_space<hbm>>
    tpu.wait_indirect_dma semaphore(%arg9 : memref<!tpu.dma_semaphore, #tpu.memory_space<semaphore_mem>>) src(%dma_wait3A_61 : memref<1015808x64xf32, #tpu.memory_space<hbm>>) dst(%dma_wait3A_56 : memref<392x64xf32, #tpu.memory_space<vmem>>)
    %add3A_62 = arith.constant 0 : i32
    %add3A_63 = arith.addi %multiple_of3A, %add3A_62 : i32
    "tpu.region"() ({
      %run_scoped3A = tpu.sem_alloc : memref<!tpu.dma_semaphore, #tpu.memory_space<semaphore_mem>>
      %dma_start3A_164 = arith.constant 0 : i32
      %dma_start3A_165 = arith.constant 0 : i32
      %dma_start3A_166 = tpu.memref_slice %arg7[%dma_start3A_164, %dma_start3A_165] : memref<392x64xf32, #tpu.memory_space<vmem>> -> memref<392x64xf32, #tpu.memory_space<vmem>>
      %dma_start3A_167 = arith.constant 64 : i32
      %dma_start3A_168 = tpu.memref_slice %arg4[%add3A_63, %dma_start3A_167] : memref<50000x128xf32, #tpu.memory_space<hbm>> -> memref<392x64xf32, #tpu.memory_space<hbm>>
      %dma_start3A_169 = arith.constant 64 : i32
      %dma_start3A_170 = tpu.memref_slice %arg4[%add3A_63, %dma_start3A_169] : memref<50000x128xf32, #tpu.memory_space<hbm>> -> memref<392x64xf32, #tpu.memory_space<hbm>>
      %dma_start3A_171 = arith.constant 0 : i32
      %dma_start3A_172 = arith.constant 0 : i32
      %dma_start3A_173 = tpu.memref_slice %arg7[%dma_start3A_171, %dma_start3A_172] : memref<392x64xf32, #tpu.memory_space<vmem>> -> memref<392x64xf32, #tpu.memory_space<vmem>>
      tpu.enqueue_dma source(%dma_start3A_173 : memref<392x64xf32, #tpu.memory_space<vmem>>) target(%dma_start3A_170 : memref<392x64xf32, #tpu.memory_space<hbm>>) target_semaphore(%run_scoped3A : memref<!tpu.dma_semaphore, #tpu.memory_space<semaphore_mem>>)
      %dma_wait3A_174 = arith.constant 0 : i32
      %dma_wait3A_175 = arith.constant 0 : i32
      %dma_wait3A_176 = tpu.memref_slice %arg7[%dma_wait3A_174, %dma_wait3A_175] : memref<392x64xf32, #tpu.memory_space<vmem>> -> memref<392x64xf32, #tpu.memory_space<vmem>>
      %dma_wait3A_177 = arith.constant 64 : i32
      %dma_wait3A_178 = tpu.memref_slice %arg4[%add3A_63, %dma_wait3A_177] : memref<50000x128xf32, #tpu.memory_space<hbm>> -> memref<392x64xf32, #tpu.memory_space<hbm>>
      %dma_wait3A_179 = arith.constant 64 : i32
      %dma_wait3A_180 = tpu.memref_slice %arg4[%add3A_63, %dma_wait3A_179] : memref<50000x128xf32, #tpu.memory_space<hbm>> -> memref<392x64xf32, #tpu.memory_space<hbm>>
      %dma_wait3A_181 = arith.constant 0 : i32
      %dma_wait3A_182 = arith.constant 0 : i32
      %dma_wait3A_183 = tpu.memref_slice %arg7[%dma_wait3A_181, %dma_wait3A_182] : memref<392x64xf32, #tpu.memory_space<vmem>> -> memref<392x64xf32, #tpu.memory_space<vmem>>
      tpu.wait_dma2 semaphore(%run_scoped3A : memref<!tpu.dma_semaphore, #tpu.memory_space<semaphore_mem>>) src(%dma_wait3A_183 : memref<392x64xf32, #tpu.memory_space<vmem>>) dst(%dma_wait3A_180 : memref<392x64xf32, #tpu.memory_space<hbm>>)
      tpu.yield
    }) : () -> ()
    %dma_start3A_64 = arith.constant 0 : i32
    %dma_start3A_65 = arith.constant 0 : i32
    %dma_start3A_66 = tpu.memref_slice %arg7[%dma_start3A_64, %dma_start3A_65] : memref<392x64xf32, #tpu.memory_space<vmem>> -> memref<392x64xf32, #tpu.memory_space<vmem>>
    %dma_start3A_67 = arith.constant 1960 : i32
    %dma_start3A_68 = tpu.memref_slice %arg5[%dma_start3A_67] : memref<3136xi32, #tpu.memory_space<vmem>> -> memref<392xi32, #tpu.memory_space<vmem>>
    %dma_start3A_69 = arith.constant 0 : i32
    %dma_start3A_70 = arith.constant 0 : i32
    %dma_start3A_71 = tpu.memref_slice %arg3[%dma_start3A_69, %dma_start3A_70] : memref<1015808x64xf32, #tpu.memory_space<hbm>> -> memref<1015808x64xf32, #tpu.memory_space<hbm>>
    tpu.enqueue_indirect_dma source(%dma_start3A_71 : memref<1015808x64xf32, #tpu.memory_space<hbm>>) target(%dma_start3A_66 : memref<392x64xf32, #tpu.memory_space<vmem>>) offsets(%dma_start3A_68 : memref<392xi32, #tpu.memory_space<vmem>>) semaphore(%arg9 : memref<!tpu.dma_semaphore, #tpu.memory_space<semaphore_mem>>)
    %dma_wait3A_72 = arith.constant 0 : i32
    %dma_wait3A_73 = arith.constant 0 : i32
    %dma_wait3A_74 = tpu.memref_slice %arg6[%dma_wait3A_72, %dma_wait3A_73] : memref<392x64xf32, #tpu.memory_space<vmem>> -> memref<392x64xf32, #tpu.memory_space<vmem>>
    %dma_wait3A_75 = arith.constant 392 : i32
    %dma_wait3A_76 = tpu.memref_slice %arg5[%dma_wait3A_75] : memref<3136xi32, #tpu.memory_space<vmem>> -> memref<392xi32, #tpu.memory_space<vmem>>
    %dma_wait3A_77 = arith.constant 0 : i32
    %dma_wait3A_78 = arith.constant 0 : i32
    %dma_wait3A_79 = tpu.memref_slice %arg3[%dma_wait3A_77, %dma_wait3A_78] : memref<1015808x64xf32, #tpu.memory_space<hbm>> -> memref<1015808x64xf32, #tpu.memory_space<hbm>>
    tpu.wait_indirect_dma semaphore(%arg8 : memref<!tpu.dma_semaphore, #tpu.memory_space<semaphore_mem>>) src(%dma_wait3A_79 : memref<1015808x64xf32, #tpu.memory_space<hbm>>) dst(%dma_wait3A_74 : memref<392x64xf32, #tpu.memory_space<vmem>>)
    %add3A_80 = arith.constant 392 : i32
    %add3A_81 = arith.addi %multiple_of3A, %add3A_80 : i32
    "tpu.region"() ({
      %run_scoped3A = tpu.sem_alloc : memref<!tpu.dma_semaphore, #tpu.memory_space<semaphore_mem>>
      %dma_start3A_164 = arith.constant 0 : i32
      %dma_start3A_165 = arith.constant 0 : i32
      %dma_start3A_166 = tpu.memref_slice %arg6[%dma_start3A_164, %dma_start3A_165] : memref<392x64xf32, #tpu.memory_space<vmem>> -> memref<392x64xf32, #tpu.memory_space<vmem>>
      %dma_start3A_167 = arith.constant 0 : i32
      %dma_start3A_168 = tpu.memref_slice %arg4[%add3A_81, %dma_start3A_167] : memref<50000x128xf32, #tpu.memory_space<hbm>> -> memref<392x64xf32, #tpu.memory_space<hbm>>
      %dma_start3A_169 = arith.constant 0 : i32
      %dma_start3A_170 = tpu.memref_slice %arg4[%add3A_81, %dma_start3A_169] : memref<50000x128xf32, #tpu.memory_space<hbm>> -> memref<392x64xf32, #tpu.memory_space<hbm>>
      %dma_start3A_171 = arith.constant 0 : i32
      %dma_start3A_172 = arith.constant 0 : i32
      %dma_start3A_173 = tpu.memref_slice %arg6[%dma_start3A_171, %dma_start3A_172] : memref<392x64xf32, #tpu.memory_space<vmem>> -> memref<392x64xf32, #tpu.memory_space<vmem>>
      tpu.enqueue_dma source(%dma_start3A_173 : memref<392x64xf32, #tpu.memory_space<vmem>>) target(%dma_start3A_170 : memref<392x64xf32, #tpu.memory_space<hbm>>) target_semaphore(%run_scoped3A : memref<!tpu.dma_semaphore, #tpu.memory_space<semaphore_mem>>)
      %dma_wait3A_174 = arith.constant 0 : i32
      %dma_wait3A_175 = arith.constant 0 : i32
      %dma_wait3A_176 = tpu.memref_slice %arg6[%dma_wait3A_174, %dma_wait3A_175] : memref<392x64xf32, #tpu.memory_space<vmem>> -> memref<392x64xf32, #tpu.memory_space<vmem>>
      %dma_wait3A_177 = arith.constant 0 : i32
      %dma_wait3A_178 = tpu.memref_slice %arg4[%add3A_81, %dma_wait3A_177] : memref<50000x128xf32, #tpu.memory_space<hbm>> -> memref<392x64xf32, #tpu.memory_space<hbm>>
      %dma_wait3A_179 = arith.constant 0 : i32
      %dma_wait3A_180 = tpu.memref_slice %arg4[%add3A_81, %dma_wait3A_179] : memref<50000x128xf32, #tpu.memory_space<hbm>> -> memref<392x64xf32, #tpu.memory_space<hbm>>
      %dma_wait3A_181 = arith.constant 0 : i32
      %dma_wait3A_182 = arith.constant 0 : i32
      %dma_wait3A_183 = tpu.memref_slice %arg6[%dma_wait3A_181, %dma_wait3A_182] : memref<392x64xf32, #tpu.memory_space<vmem>> -> memref<392x64xf32, #tpu.memory_space<vmem>>
      tpu.wait_dma2 semaphore(%run_scoped3A : memref<!tpu.dma_semaphore, #tpu.memory_space<semaphore_mem>>) src(%dma_wait3A_183 : memref<392x64xf32, #tpu.memory_space<vmem>>) dst(%dma_wait3A_180 : memref<392x64xf32, #tpu.memory_space<hbm>>)
      tpu.yield
    }) : () -> ()
    %dma_start3A_82 = arith.constant 0 : i32
    %dma_start3A_83 = arith.constant 0 : i32
    %dma_start3A_84 = tpu.memref_slice %arg6[%dma_start3A_82, %dma_start3A_83] : memref<392x64xf32, #tpu.memory_space<vmem>> -> memref<392x64xf32, #tpu.memory_space<vmem>>
    %dma_start3A_85 = arith.constant 784 : i32
    %dma_start3A_86 = tpu.memref_slice %arg5[%dma_start3A_85] : memref<3136xi32, #tpu.memory_space<vmem>> -> memref<392xi32, #tpu.memory_space<vmem>>
    %dma_start3A_87 = arith.constant 0 : i32
    %dma_start3A_88 = arith.constant 0 : i32
    %dma_start3A_89 = tpu.memref_slice %arg3[%dma_start3A_87, %dma_start3A_88] : memref<1015808x64xf32, #tpu.memory_space<hbm>> -> memref<1015808x64xf32, #tpu.memory_space<hbm>>
    tpu.enqueue_indirect_dma source(%dma_start3A_89 : memref<1015808x64xf32, #tpu.memory_space<hbm>>) target(%dma_start3A_84 : memref<392x64xf32, #tpu.memory_space<vmem>>) offsets(%dma_start3A_86 : memref<392xi32, #tpu.memory_space<vmem>>) semaphore(%arg8 : memref<!tpu.dma_semaphore, #tpu.memory_space<semaphore_mem>>)
    %dma_wait3A_90 = arith.constant 0 : i32
    %dma_wait3A_91 = arith.constant 0 : i32
    %dma_wait3A_92 = tpu.memref_slice %arg7[%dma_wait3A_90, %dma_wait3A_91] : memref<392x64xf32, #tpu.memory_space<vmem>> -> memref<392x64xf32, #tpu.memory_space<vmem>>
    %dma_wait3A_93 = arith.constant 1960 : i32
    %dma_wait3A_94 = tpu.memref_slice %arg5[%dma_wait3A_93] : memref<3136xi32, #tpu.memory_space<vmem>> -> memref<392xi32, #tpu.memory_space<vmem>>
    %dma_wait3A_95 = arith.constant 0 : i32
    %dma_wait3A_96 = arith.constant 0 : i32
    %dma_wait3A_97 = tpu.memref_slice %arg3[%dma_wait3A_95, %dma_wait3A_96] : memref<1015808x64xf32, #tpu.memory_space<hbm>> -> memref<1015808x64xf32, #tpu.memory_space<hbm>>
    tpu.wait_indirect_dma semaphore(%arg9 : memref<!tpu.dma_semaphore, #tpu.memory_space<semaphore_mem>>) src(%dma_wait3A_97 : memref<1015808x64xf32, #tpu.memory_space<hbm>>) dst(%dma_wait3A_92 : memref<392x64xf32, #tpu.memory_space<vmem>>)
    %add3A_98 = arith.constant 392 : i32
    %add3A_99 = arith.addi %multiple_of3A, %add3A_98 : i32
    "tpu.region"() ({
      %run_scoped3A = tpu.sem_alloc : memref<!tpu.dma_semaphore, #tpu.memory_space<semaphore_mem>>
      %dma_start3A_164 = arith.constant 0 : i32
      %dma_start3A_165 = arith.constant 0 : i32
      %dma_start3A_166 = tpu.memref_slice %arg7[%dma_start3A_164, %dma_start3A_165] : memref<392x64xf32, #tpu.memory_space<vmem>> -> memref<392x64xf32, #tpu.memory_space<vmem>>
      %dma_start3A_167 = arith.constant 64 : i32
      %dma_start3A_168 = tpu.memref_slice %arg4[%add3A_99, %dma_start3A_167] : memref<50000x128xf32, #tpu.memory_space<hbm>> -> memref<392x64xf32, #tpu.memory_space<hbm>>
      %dma_start3A_169 = arith.constant 64 : i32
      %dma_start3A_170 = tpu.memref_slice %arg4[%add3A_99, %dma_start3A_169] : memref<50000x128xf32, #tpu.memory_space<hbm>> -> memref<392x64xf32, #tpu.memory_space<hbm>>
      %dma_start3A_171 = arith.constant 0 : i32
      %dma_start3A_172 = arith.constant 0 : i32
      %dma_start3A_173 = tpu.memref_slice %arg7[%dma_start3A_171, %dma_start3A_172] : memref<392x64xf32, #tpu.memory_space<vmem>> -> memref<392x64xf32, #tpu.memory_space<vmem>>
      tpu.enqueue_dma source(%dma_start3A_173 : memref<392x64xf32, #tpu.memory_space<vmem>>) target(%dma_start3A_170 : memref<392x64xf32, #tpu.memory_space<hbm>>) target_semaphore(%run_scoped3A : memref<!tpu.dma_semaphore, #tpu.memory_space<semaphore_mem>>)
      %dma_wait3A_174 = arith.constant 0 : i32
      %dma_wait3A_175 = arith.constant 0 : i32
      %dma_wait3A_176 = tpu.memref_slice %arg7[%dma_wait3A_174, %dma_wait3A_175] : memref<392x64xf32, #tpu.memory_space<vmem>> -> memref<392x64xf32, #tpu.memory_space<vmem>>
      %dma_wait3A_177 = arith.constant 64 : i32
      %dma_wait3A_178 = tpu.memref_slice %arg4[%add3A_99, %dma_wait3A_177] : memref<50000x128xf32, #tpu.memory_space<hbm>> -> memref<392x64xf32, #tpu.memory_space<hbm>>
      %dma_wait3A_179 = arith.constant 64 : i32
      %dma_wait3A_180 = tpu.memref_slice %arg4[%add3A_99, %dma_wait3A_179] : memref<50000x128xf32, #tpu.memory_space<hbm>> -> memref<392x64xf32, #tpu.memory_space<hbm>>
      %dma_wait3A_181 = arith.constant 0 : i32
      %dma_wait3A_182 = arith.constant 0 : i32
      %dma_wait3A_183 = tpu.memref_slice %arg7[%dma_wait3A_181, %dma_wait3A_182] : memref<392x64xf32, #tpu.memory_space<vmem>> -> memref<392x64xf32, #tpu.memory_space<vmem>>
      tpu.wait_dma2 semaphore(%run_scoped3A : memref<!tpu.dma_semaphore, #tpu.memory_space<semaphore_mem>>) src(%dma_wait3A_183 : memref<392x64xf32, #tpu.memory_space<vmem>>) dst(%dma_wait3A_180 : memref<392x64xf32, #tpu.memory_space<hbm>>)
      tpu.yield
    }) : () -> ()
    %dma_start3A_100 = arith.constant 0 : i32
    %dma_start3A_101 = arith.constant 0 : i32
    %dma_start3A_102 = tpu.memref_slice %arg7[%dma_start3A_100, %dma_start3A_101] : memref<392x64xf32, #tpu.memory_space<vmem>> -> memref<392x64xf32, #tpu.memory_space<vmem>>
    %dma_start3A_103 = arith.constant 2352 : i32
    %dma_start3A_104 = tpu.memref_slice %arg5[%dma_start3A_103] : memref<3136xi32, #tpu.memory_space<vmem>> -> memref<392xi32, #tpu.memory_space<vmem>>
    %dma_start3A_105 = arith.constant 0 : i32
    %dma_start3A_106 = arith.constant 0 : i32
    %dma_start3A_107 = tpu.memref_slice %arg3[%dma_start3A_105, %dma_start3A_106] : memref<1015808x64xf32, #tpu.memory_space<hbm>> -> memref<1015808x64xf32, #tpu.memory_space<hbm>>
    tpu.enqueue_indirect_dma source(%dma_start3A_107 : memref<1015808x64xf32, #tpu.memory_space<hbm>>) target(%dma_start3A_102 : memref<392x64xf32, #tpu.memory_space<vmem>>) offsets(%dma_start3A_104 : memref<392xi32, #tpu.memory_space<vmem>>) semaphore(%arg9 : memref<!tpu.dma_semaphore, #tpu.memory_space<semaphore_mem>>)
    %dma_wait3A_108 = arith.constant 0 : i32
    %dma_wait3A_109 = arith.constant 0 : i32
    %dma_wait3A_110 = tpu.memref_slice %arg6[%dma_wait3A_108, %dma_wait3A_109] : memref<392x64xf32, #tpu.memory_space<vmem>> -> memref<392x64xf32, #tpu.memory_space<vmem>>
    %dma_wait3A_111 = arith.constant 784 : i32
    %dma_wait3A_112 = tpu.memref_slice %arg5[%dma_wait3A_111] : memref<3136xi32, #tpu.memory_space<vmem>> -> memref<392xi32, #tpu.memory_space<vmem>>
    %dma_wait3A_113 = arith.constant 0 : i32
    %dma_wait3A_114 = arith.constant 0 : i32
    %dma_wait3A_115 = tpu.memref_slice %arg3[%dma_wait3A_113, %dma_wait3A_114] : memref<1015808x64xf32, #tpu.memory_space<hbm>> -> memref<1015808x64xf32, #tpu.memory_space<hbm>>
    tpu.wait_indirect_dma semaphore(%arg8 : memref<!tpu.dma_semaphore, #tpu.memory_space<semaphore_mem>>) src(%dma_wait3A_115 : memref<1015808x64xf32, #tpu.memory_space<hbm>>) dst(%dma_wait3A_110 : memref<392x64xf32, #tpu.memory_space<vmem>>)
    %add3A_116 = arith.constant 784 : i32
    %add3A_117 = arith.addi %multiple_of3A, %add3A_116 : i32
    "tpu.region"() ({
      %run_scoped3A = tpu.sem_alloc : memref<!tpu.dma_semaphore, #tpu.memory_space<semaphore_mem>>
      %dma_start3A_164 = arith.constant 0 : i32
      %dma_start3A_165 = arith.constant 0 : i32
      %dma_start3A_166 = tpu.memref_slice %arg6[%dma_start3A_164, %dma_start3A_165] : memref<392x64xf32, #tpu.memory_space<vmem>> -> memref<392x64xf32, #tpu.memory_space<vmem>>
      %dma_start3A_167 = arith.constant 0 : i32
      %dma_start3A_168 = tpu.memref_slice %arg4[%add3A_117, %dma_start3A_167] : memref<50000x128xf32, #tpu.memory_space<hbm>> -> memref<392x64xf32, #tpu.memory_space<hbm>>
      %dma_start3A_169 = arith.constant 0 : i32
      %dma_start3A_170 = tpu.memref_slice %arg4[%add3A_117, %dma_start3A_169] : memref<50000x128xf32, #tpu.memory_space<hbm>> -> memref<392x64xf32, #tpu.memory_space<hbm>>
      %dma_start3A_171 = arith.constant 0 : i32
      %dma_start3A_172 = arith.constant 0 : i32
      %dma_start3A_173 = tpu.memref_slice %arg6[%dma_start3A_171, %dma_start3A_172] : memref<392x64xf32, #tpu.memory_space<vmem>> -> memref<392x64xf32, #tpu.memory_space<vmem>>
      tpu.enqueue_dma source(%dma_start3A_173 : memref<392x64xf32, #tpu.memory_space<vmem>>) target(%dma_start3A_170 : memref<392x64xf32, #tpu.memory_space<hbm>>) target_semaphore(%run_scoped3A : memref<!tpu.dma_semaphore, #tpu.memory_space<semaphore_mem>>)
      %dma_wait3A_174 = arith.constant 0 : i32
      %dma_wait3A_175 = arith.constant 0 : i32
      %dma_wait3A_176 = tpu.memref_slice %arg6[%dma_wait3A_174, %dma_wait3A_175] : memref<392x64xf32, #tpu.memory_space<vmem>> -> memref<392x64xf32, #tpu.memory_space<vmem>>
      %dma_wait3A_177 = arith.constant 0 : i32
      %dma_wait3A_178 = tpu.memref_slice %arg4[%add3A_117, %dma_wait3A_177] : memref<50000x128xf32, #tpu.memory_space<hbm>> -> memref<392x64xf32, #tpu.memory_space<hbm>>
      %dma_wait3A_179 = arith.constant 0 : i32
      %dma_wait3A_180 = tpu.memref_slice %arg4[%add3A_117, %dma_wait3A_179] : memref<50000x128xf32, #tpu.memory_space<hbm>> -> memref<392x64xf32, #tpu.memory_space<hbm>>
      %dma_wait3A_181 = arith.constant 0 : i32
      %dma_wait3A_182 = arith.constant 0 : i32
      %dma_wait3A_183 = tpu.memref_slice %arg6[%dma_wait3A_181, %dma_wait3A_182] : memref<392x64xf32, #tpu.memory_space<vmem>> -> memref<392x64xf32, #tpu.memory_space<vmem>>
      tpu.wait_dma2 semaphore(%run_scoped3A : memref<!tpu.dma_semaphore, #tpu.memory_space<semaphore_mem>>) src(%dma_wait3A_183 : memref<392x64xf32, #tpu.memory_space<vmem>>) dst(%dma_wait3A_180 : memref<392x64xf32, #tpu.memory_space<hbm>>)
      tpu.yield
    }) : () -> ()
    %dma_start3A_118 = arith.constant 0 : i32
    %dma_start3A_119 = arith.constant 0 : i32
    %dma_start3A_120 = tpu.memref_slice %arg6[%dma_start3A_118, %dma_start3A_119] : memref<392x64xf32, #tpu.memory_space<vmem>> -> memref<392x64xf32, #tpu.memory_space<vmem>>
    %dma_start3A_121 = arith.constant 1176 : i32
    %dma_start3A_122 = tpu.memref_slice %arg5[%dma_start3A_121] : memref<3136xi32, #tpu.memory_space<vmem>> -> memref<392xi32, #tpu.memory_space<vmem>>
    %dma_start3A_123 = arith.constant 0 : i32
    %dma_start3A_124 = arith.constant 0 : i32
    %dma_start3A_125 = tpu.memref_slice %arg3[%dma_start3A_123, %dma_start3A_124] : memref<1015808x64xf32, #tpu.memory_space<hbm>> -> memref<1015808x64xf32, #tpu.memory_space<hbm>>
    tpu.enqueue_indirect_dma source(%dma_start3A_125 : memref<1015808x64xf32, #tpu.memory_space<hbm>>) target(%dma_start3A_120 : memref<392x64xf32, #tpu.memory_space<vmem>>) offsets(%dma_start3A_122 : memref<392xi32, #tpu.memory_space<vmem>>) semaphore(%arg8 : memref<!tpu.dma_semaphore, #tpu.memory_space<semaphore_mem>>)
    %dma_wait3A_126 = arith.constant 0 : i32
    %dma_wait3A_127 = arith.constant 0 : i32
    %dma_wait3A_128 = tpu.memref_slice %arg7[%dma_wait3A_126, %dma_wait3A_127] : memref<392x64xf32, #tpu.memory_space<vmem>> -> memref<392x64xf32, #tpu.memory_space<vmem>>
    %dma_wait3A_129 = arith.constant 2352 : i32
    %dma_wait3A_130 = tpu.memref_slice %arg5[%dma_wait3A_129] : memref<3136xi32, #tpu.memory_space<vmem>> -> memref<392xi32, #tpu.memory_space<vmem>>
    %dma_wait3A_131 = arith.constant 0 : i32
    %dma_wait3A_132 = arith.constant 0 : i32
    %dma_wait3A_133 = tpu.memref_slice %arg3[%dma_wait3A_131, %dma_wait3A_132] : memref<1015808x64xf32, #tpu.memory_space<hbm>> -> memref<1015808x64xf32, #tpu.memory_space<hbm>>
    tpu.wait_indirect_dma semaphore(%arg9 : memref<!tpu.dma_semaphore, #tpu.memory_space<semaphore_mem>>) src(%dma_wait3A_133 : memref<1015808x64xf32, #tpu.memory_space<hbm>>) dst(%dma_wait3A_128 : memref<392x64xf32, #tpu.memory_space<vmem>>)
    %add3A_134 = arith.constant 784 : i32
    %add3A_135 = arith.addi %multiple_of3A, %add3A_134 : i32
    "tpu.region"() ({
      %run_scoped3A = tpu.sem_alloc : memref<!tpu.dma_semaphore, #tpu.memory_space<semaphore_mem>>
      %dma_start3A_164 = arith.constant 0 : i32
      %dma_start3A_165 = arith.constant 0 : i32
      %dma_start3A_166 = tpu.memref_slice %arg7[%dma_start3A_164, %dma_start3A_165] : memref<392x64xf32, #tpu.memory_space<vmem>> -> memref<392x64xf32, #tpu.memory_space<vmem>>
      %dma_start3A_167 = arith.constant 64 : i32
      %dma_start3A_168 = tpu.memref_slice %arg4[%add3A_135, %dma_start3A_167] : memref<50000x128xf32, #tpu.memory_space<hbm>> -> memref<392x64xf32, #tpu.memory_space<hbm>>
      %dma_start3A_169 = arith.constant 64 : i32
      %dma_start3A_170 = tpu.memref_slice %arg4[%add3A_135, %dma_start3A_169] : memref<50000x128xf32, #tpu.memory_space<hbm>> -> memref<392x64xf32, #tpu.memory_space<hbm>>
      %dma_start3A_171 = arith.constant 0 : i32
      %dma_start3A_172 = arith.constant 0 : i32
      %dma_start3A_173 = tpu.memref_slice %arg7[%dma_start3A_171, %dma_start3A_172] : memref<392x64xf32, #tpu.memory_space<vmem>> -> memref<392x64xf32, #tpu.memory_space<vmem>>
      tpu.enqueue_dma source(%dma_start3A_173 : memref<392x64xf32, #tpu.memory_space<vmem>>) target(%dma_start3A_170 : memref<392x64xf32, #tpu.memory_space<hbm>>) target_semaphore(%run_scoped3A : memref<!tpu.dma_semaphore, #tpu.memory_space<semaphore_mem>>)
      %dma_wait3A_174 = arith.constant 0 : i32
      %dma_wait3A_175 = arith.constant 0 : i32
      %dma_wait3A_176 = tpu.memref_slice %arg7[%dma_wait3A_174, %dma_wait3A_175] : memref<392x64xf32, #tpu.memory_space<vmem>> -> memref<392x64xf32, #tpu.memory_space<vmem>>
      %dma_wait3A_177 = arith.constant 64 : i32
      %dma_wait3A_178 = tpu.memref_slice %arg4[%add3A_135, %dma_wait3A_177] : memref<50000x128xf32, #tpu.memory_space<hbm>> -> memref<392x64xf32, #tpu.memory_space<hbm>>
      %dma_wait3A_179 = arith.constant 64 : i32
      %dma_wait3A_180 = tpu.memref_slice %arg4[%add3A_135, %dma_wait3A_179] : memref<50000x128xf32, #tpu.memory_space<hbm>> -> memref<392x64xf32, #tpu.memory_space<hbm>>
      %dma_wait3A_181 = arith.constant 0 : i32
      %dma_wait3A_182 = arith.constant 0 : i32
      %dma_wait3A_183 = tpu.memref_slice %arg7[%dma_wait3A_181, %dma_wait3A_182] : memref<392x64xf32, #tpu.memory_space<vmem>> -> memref<392x64xf32, #tpu.memory_space<vmem>>
      tpu.wait_dma2 semaphore(%run_scoped3A : memref<!tpu.dma_semaphore, #tpu.memory_space<semaphore_mem>>) src(%dma_wait3A_183 : memref<392x64xf32, #tpu.memory_space<vmem>>) dst(%dma_wait3A_180 : memref<392x64xf32, #tpu.memory_space<hbm>>)
      tpu.yield
    }) : () -> ()
    %dma_start3A_136 = arith.constant 0 : i32
    %dma_start3A_137 = arith.constant 0 : i32
    %dma_start3A_138 = tpu.memref_slice %arg7[%dma_start3A_136, %dma_start3A_137] : memref<392x64xf32, #tpu.memory_space<vmem>> -> memref<392x64xf32, #tpu.memory_space<vmem>>
    %dma_start3A_139 = arith.constant 2744 : i32
    %dma_start3A_140 = tpu.memref_slice %arg5[%dma_start3A_139] : memref<3136xi32, #tpu.memory_space<vmem>> -> memref<392xi32, #tpu.memory_space<vmem>>
    %dma_start3A_141 = arith.constant 0 : i32
    %dma_start3A_142 = arith.constant 0 : i32
    %dma_start3A_143 = tpu.memref_slice %arg3[%dma_start3A_141, %dma_start3A_142] : memref<1015808x64xf32, #tpu.memory_space<hbm>> -> memref<1015808x64xf32, #tpu.memory_space<hbm>>
    tpu.enqueue_indirect_dma source(%dma_start3A_143 : memref<1015808x64xf32, #tpu.memory_space<hbm>>) target(%dma_start3A_138 : memref<392x64xf32, #tpu.memory_space<vmem>>) offsets(%dma_start3A_140 : memref<392xi32, #tpu.memory_space<vmem>>) semaphore(%arg9 : memref<!tpu.dma_semaphore, #tpu.memory_space<semaphore_mem>>)
    %dma_wait3A_144 = arith.constant 0 : i32
    %dma_wait3A_145 = arith.constant 0 : i32
    %dma_wait3A_146 = tpu.memref_slice %arg6[%dma_wait3A_144, %dma_wait3A_145] : memref<392x64xf32, #tpu.memory_space<vmem>> -> memref<392x64xf32, #tpu.memory_space<vmem>>
    %dma_wait3A_147 = arith.constant 1176 : i32
    %dma_wait3A_148 = tpu.memref_slice %arg5[%dma_wait3A_147] : memref<3136xi32, #tpu.memory_space<vmem>> -> memref<392xi32, #tpu.memory_space<vmem>>
    %dma_wait3A_149 = arith.constant 0 : i32
    %dma_wait3A_150 = arith.constant 0 : i32
    %dma_wait3A_151 = tpu.memref_slice %arg3[%dma_wait3A_149, %dma_wait3A_150] : memref<1015808x64xf32, #tpu.memory_space<hbm>> -> memref<1015808x64xf32, #tpu.memory_space<hbm>>
    tpu.wait_indirect_dma semaphore(%arg8 : memref<!tpu.dma_semaphore, #tpu.memory_space<semaphore_mem>>) src(%dma_wait3A_151 : memref<1015808x64xf32, #tpu.memory_space<hbm>>) dst(%dma_wait3A_146 : memref<392x64xf32, #tpu.memory_space<vmem>>)
    %add3A_152 = arith.constant 1176 : i32
    %add3A_153 = arith.addi %multiple_of3A, %add3A_152 : i32
    "tpu.region"() ({
      %run_scoped3A = tpu.sem_alloc : memref<!tpu.dma_semaphore, #tpu.memory_space<semaphore_mem>>
      %dma_start3A_164 = arith.constant 0 : i32
      %dma_start3A_165 = arith.constant 0 : i32
      %dma_start3A_166 = tpu.memref_slice %arg6[%dma_start3A_164, %dma_start3A_165] : memref<392x64xf32, #tpu.memory_space<vmem>> -> memref<392x64xf32, #tpu.memory_space<vmem>>
      %dma_start3A_167 = arith.constant 0 : i32
      %dma_start3A_168 = tpu.memref_slice %arg4[%add3A_153, %dma_start3A_167] : memref<50000x128xf32, #tpu.memory_space<hbm>> -> memref<392x64xf32, #tpu.memory_space<hbm>>
      %dma_start3A_169 = arith.constant 0 : i32
      %dma_start3A_170 = tpu.memref_slice %arg4[%add3A_153, %dma_start3A_169] : memref<50000x128xf32, #tpu.memory_space<hbm>> -> memref<392x64xf32, #tpu.memory_space<hbm>>
      %dma_start3A_171 = arith.constant 0 : i32
      %dma_start3A_172 = arith.constant 0 : i32
      %dma_start3A_173 = tpu.memref_slice %arg6[%dma_start3A_171, %dma_start3A_172] : memref<392x64xf32, #tpu.memory_space<vmem>> -> memref<392x64xf32, #tpu.memory_space<vmem>>
      tpu.enqueue_dma source(%dma_start3A_173 : memref<392x64xf32, #tpu.memory_space<vmem>>) target(%dma_start3A_170 : memref<392x64xf32, #tpu.memory_space<hbm>>) target_semaphore(%run_scoped3A : memref<!tpu.dma_semaphore, #tpu.memory_space<semaphore_mem>>)
      %dma_wait3A_174 = arith.constant 0 : i32
      %dma_wait3A_175 = arith.constant 0 : i32
      %dma_wait3A_176 = tpu.memref_slice %arg6[%dma_wait3A_174, %dma_wait3A_175] : memref<392x64xf32, #tpu.memory_space<vmem>> -> memref<392x64xf32, #tpu.memory_space<vmem>>
      %dma_wait3A_177 = arith.constant 0 : i32
      %dma_wait3A_178 = tpu.memref_slice %arg4[%add3A_153, %dma_wait3A_177] : memref<50000x128xf32, #tpu.memory_space<hbm>> -> memref<392x64xf32, #tpu.memory_space<hbm>>
      %dma_wait3A_179 = arith.constant 0 : i32
      %dma_wait3A_180 = tpu.memref_slice %arg4[%add3A_153, %dma_wait3A_179] : memref<50000x128xf32, #tpu.memory_space<hbm>> -> memref<392x64xf32, #tpu.memory_space<hbm>>
      %dma_wait3A_181 = arith.constant 0 : i32
      %dma_wait3A_182 = arith.constant 0 : i32
      %dma_wait3A_183 = tpu.memref_slice %arg6[%dma_wait3A_181, %dma_wait3A_182] : memref<392x64xf32, #tpu.memory_space<vmem>> -> memref<392x64xf32, #tpu.memory_space<vmem>>
      tpu.wait_dma2 semaphore(%run_scoped3A : memref<!tpu.dma_semaphore, #tpu.memory_space<semaphore_mem>>) src(%dma_wait3A_183 : memref<392x64xf32, #tpu.memory_space<vmem>>) dst(%dma_wait3A_180 : memref<392x64xf32, #tpu.memory_space<hbm>>)
      tpu.yield
    }) : () -> ()
    %dma_wait3A_154 = arith.constant 0 : i32
    %dma_wait3A_155 = arith.constant 0 : i32
    %dma_wait3A_156 = tpu.memref_slice %arg7[%dma_wait3A_154, %dma_wait3A_155] : memref<392x64xf32, #tpu.memory_space<vmem>> -> memref<392x64xf32, #tpu.memory_space<vmem>>
    %dma_wait3A_157 = arith.constant 2744 : i32
    %dma_wait3A_158 = tpu.memref_slice %arg5[%dma_wait3A_157] : memref<3136xi32, #tpu.memory_space<vmem>> -> memref<392xi32, #tpu.memory_space<vmem>>
    %dma_wait3A_159 = arith.constant 0 : i32
    %dma_wait3A_160 = arith.constant 0 : i32
    %dma_wait3A_161 = tpu.memref_slice %arg3[%dma_wait3A_159, %dma_wait3A_160] : memref<1015808x64xf32, #tpu.memory_space<hbm>> -> memref<1015808x64xf32, #tpu.memory_space<hbm>>
    tpu.wait_indirect_dma semaphore(%arg9 : memref<!tpu.dma_semaphore, #tpu.memory_space<semaphore_mem>>) src(%dma_wait3A_161 : memref<1015808x64xf32, #tpu.memory_space<hbm>>) dst(%dma_wait3A_156 : memref<392x64xf32, #tpu.memory_space<vmem>>)
    %add3A_162 = arith.constant 1176 : i32
    %add3A_163 = arith.addi %multiple_of3A, %add3A_162 : i32
    "tpu.region"() ({
      %run_scoped3A = tpu.sem_alloc : memref<!tpu.dma_semaphore, #tpu.memory_space<semaphore_mem>>
      %dma_start3A_164 = arith.constant 0 : i32
      %dma_start3A_165 = arith.constant 0 : i32
      %dma_start3A_166 = tpu.memref_slice %arg7[%dma_start3A_164, %dma_start3A_165] : memref<392x64xf32, #tpu.memory_space<vmem>> -> memref<392x64xf32, #tpu.memory_space<vmem>>
      %dma_start3A_167 = arith.constant 64 : i32
      %dma_start3A_168 = tpu.memref_slice %arg4[%add3A_163, %dma_start3A_167] : memref<50000x128xf32, #tpu.memory_space<hbm>> -> memref<392x64xf32, #tpu.memory_space<hbm>>
      %dma_start3A_169 = arith.constant 64 : i32
      %dma_start3A_170 = tpu.memref_slice %arg4[%add3A_163, %dma_start3A_169] : memref<50000x128xf32, #tpu.memory_space<hbm>> -> memref<392x64xf32, #tpu.memory_space<hbm>>
      %dma_start3A_171 = arith.constant 0 : i32
      %dma_start3A_172 = arith.constant 0 : i32
      %dma_start3A_173 = tpu.memref_slice %arg7[%dma_start3A_171, %dma_start3A_172] : memref<392x64xf32, #tpu.memory_space<vmem>> -> memref<392x64xf32, #tpu.memory_space<vmem>>
      tpu.enqueue_dma source(%dma_start3A_173 : memref<392x64xf32, #tpu.memory_space<vmem>>) target(%dma_start3A_170 : memref<392x64xf32, #tpu.memory_space<hbm>>) target_semaphore(%run_scoped3A : memref<!tpu.dma_semaphore, #tpu.memory_space<semaphore_mem>>)
      %dma_wait3A_174 = arith.constant 0 : i32
      %dma_wait3A_175 = arith.constant 0 : i32
      %dma_wait3A_176 = tpu.memref_slice %arg7[%dma_wait3A_174, %dma_wait3A_175] : memref<392x64xf32, #tpu.memory_space<vmem>> -> memref<392x64xf32, #tpu.memory_space<vmem>>
      %dma_wait3A_177 = arith.constant 64 : i32
      %dma_wait3A_178 = tpu.memref_slice %arg4[%add3A_163, %dma_wait3A_177] : memref<50000x128xf32, #tpu.memory_space<hbm>> -> memref<392x64xf32, #tpu.memory_space<hbm>>
      %dma_wait3A_179 = arith.constant 64 : i32
      %dma_wait3A_180 = tpu.memref_slice %arg4[%add3A_163, %dma_wait3A_179] : memref<50000x128xf32, #tpu.memory_space<hbm>> -> memref<392x64xf32, #tpu.memory_space<hbm>>
      %dma_wait3A_181 = arith.constant 0 : i32
      %dma_wait3A_182 = arith.constant 0 : i32
      %dma_wait3A_183 = tpu.memref_slice %arg7[%dma_wait3A_181, %dma_wait3A_182] : memref<392x64xf32, #tpu.memory_space<vmem>> -> memref<392x64xf32, #tpu.memory_space<vmem>>
      tpu.wait_dma2 semaphore(%run_scoped3A : memref<!tpu.dma_semaphore, #tpu.memory_space<semaphore_mem>>) src(%dma_wait3A_183 : memref<392x64xf32, #tpu.memory_space<vmem>>) dst(%dma_wait3A_180 : memref<392x64xf32, #tpu.memory_space<hbm>>)
      tpu.yield
    }) : () -> ()
    return
  }
}

module attributes {stable_mosaic.version = 14 : i64} {
  func.func @_transpose_body(%arg0: i32, %arg1: memref<64x32768xf32, #tpu.memory_space<vmem>>, %arg2: memref<16384x128xf32, #tpu.memory_space<vmem>>) attributes {dimension_semantics = [#tpu.dimension_semantics<arbitrary>], iteration_bounds = array<i64: 31>, scalar_prefetch = 0 : i64, scratch_operands = 0 : i64, tpu.core_type = #tpu.core_type<tc>, window_params = [{transform_indices = @transform_0, window_bounds = array<i64: 64, 32768>}, {transform_indices = @transform_1, window_bounds = array<i64: 16384, 128>}]} {
    %get3A = arith.constant 0 : index
    %get3A_0 = arith.constant 0 : index
    %get3A_1 = vector.load %arg1[%get3A, %get3A_0] : memref<64x32768xf32, #tpu.memory_space<vmem>>, vector<64x32768xf32>
    %slice3A = vector.extract_strided_slice %get3A_1 {offsets = [0, 0], sizes = [64, 16384], strides = [1, 1]} : vector<64x32768xf32> to vector<64x16384xf32>
    %slice3A_2 = vector.extract_strided_slice %get3A_1 {offsets = [0, 16384], sizes = [64, 16384], strides = [1, 1]} : vector<64x32768xf32> to vector<64x16384xf32>
    %concatenate3A = tpu.concatenate %slice3A, %slice3A_2 in 0 : vector<64x16384xf32>, vector<64x16384xf32> -> vector<128x16384xf32>
    %transpose3A = tpu.transpose %concatenate3A, [1, 0] : vector<128x16384xf32> -> vector<16384x128xf32>
    %swap3A = arith.constant 0 : index
    %swap3A_3 = arith.constant 0 : index
    %swap3A_4 = vector.load %arg2[%swap3A, %swap3A_3] : memref<16384x128xf32, #tpu.memory_space<vmem>>, vector<16384x128xf32>
    tpu.vector_store %arg2[%swap3A, %swap3A_3], %transpose3A {strides = array<i32>} : memref<16384x128xf32, #tpu.memory_space<vmem>>, vector<16384x128xf32>,
    return
  }
  func.func @transform_0(%arg0: i32) -> (i32, i32) {
    %c0_i32 = arith.constant 0 : i32
    %c0_i32_0 = arith.constant 0 : i32
    return %c0_i32, %arg0 : i32, i32
  }
  func.func @transform_1(%arg0: i32) -> (i32, i32) {
    %c0_i32 = arith.constant 0 : i32
    %c0_i32_0 = arith.constant 0 : i32
    return %arg0, %c0_i32 : i32, i32
  }
}

</mosaic_0001>

<sc_bundles>
// kernel: kernel.4.cloned.1.call-start
scs
__scs_entry_jumppad:
0x0: {  	(pc) =	sbr.rel $0x88, $3  }
0x1: {  	(tag) =	ssettag $0x0;
	lr =	simm.s32 $0x1  }
0x2: {  	[smem:$0x3F9F] =	sst lr;
	_ =	strace $0xD0000000  }
0x3: {  	_ = 	snop  }
0x4: {  	_ = 	snop  }
0x5: {  	_ = 	snop  }
0x6: {  	_ = 	snop  }
0x7: {  	_ = 	snop  }
__scs_overlays_trampoline_lowered:
0x8: {  	[smem:$0x3FAE] =	sst s0  }
0x9: {  	[smem:$0x3FAF] =	sst s1  }
0xa: {  	[smem:$0x3FB0] =	sst s2  }
0xb: {  	[smem:$0x3FB1] =	sst s3  }
0xc: {  	[smem:$0x3FB2] =	sst s4  }
0xd: {  	[smem:$0x3FB3] =	sst s5  }
0xe: {  	[smem:$0x3FB4] =	sst s6  }
0xf: {  	[smem:$0x3FB5] =	sst s7  }
0x10: {  	[smem:$0x3FB6] =	sst s8  }
0x11: {  	[smem:$0x3FB7] =	sst s9;
	s0 =	simm.s32 @!p0 $0x0  }
0x12: {  	s1 =	sld [smem:$0x3F9D];
	s0 =	simm.s32 @p0 $0x1  }
0x13: {  	[smem:$0x3FB8] =	sst s0;
	s0 =	simm.s32 @!p1 $0x0  }
0x14: {  	s2 =	sld [smem:$0x3F9C];
	s0 =	simm.s32 @p1 $0x1  }
0x15: {  	[smem:$0x3FB9] =	sst s0;
	s0 =	simm.s32 @!p2 $0x0  }
0x16: {  	s3 =	sld [smem:$0x3FDB];
	s0 =	simm.s32 @p2 $0x1  }
0x17: {  	s4 =	simm.s32 $0x1BF5;
	[smem:$0x3FBB] =	sst s0  }
0x18: {  	s0 =	sld [smem:$0x3F9E];
	_ =	swait.ge [sflag:s4], $0x0  }
0x19: {  	s7 =	sld [smem:$0x3F9F]  }
0x1a: {  	s8 =	sadd.s32 $0xFFFFE003, lr  }
0x1b: {  	s9 =	sadd.s32 $0xFFFFFEF7, lr;
	s5 =	simm.s32 $0xFFFFFFFF;
	p2 =	slt.u32 s8, $0xFFFFF086  }
0x1c: {  	p1 =	slt.u32 s9, $0xF7A;
	s5 =	simm.s32 @!p2 $0x0  }
0x1d: {  	s5 =	simm.s32 @p1 $0x1;
	p0 =	seq.s32 s7, s2  }
0x1e: {  	s7 =	smul.u32 @!p0 $0xF7A, s2;
	p2 =	seq.s32 @!p0 s5, $0x0  }
0x1f: {  	s9 =	smul.u32 $0xF7A, s1;
	s8 =	simm.s32 @!p0 $0x1BF5;
	p2 =	por !p2, p0  }
0x20: {  	[sflag:s8] =	ssyncset.s32 @!p0 $0xFFFFF086;
	s6 =	sadd.s32 @!p0 s3, s7;
	s7 =	simm.s32 @!p0 $0x108  }
0x21: {  	s3 =	sadd.s32 s3, s9;
	s6 =	sadd.s32 @!p0 $0x88, s6;
	s7 =	simm.s32 @p2 $0x1082  }
0x22: {  	[simem:s7], [sflag:s8] =	dma.local @!p0 [hbm:s6], $0xF7A  }
0x23: {  	s9 =	sor.u32 $0xD0000000, s2;
	s6 =	simm.s32 $0x108;
	_ =	swait.ge @!p0 [sflag:s8], $0x0  }
0x24: {  	s3 =	sadd.s32 $0x88, s3;
	s6 =	simm.s32 @!p1 $0x1082;
	[sflag:s4] =	ssyncset.s32 $0xFFFFF086  }
0x25: {  	[simem:s6], [sflag:s4] =	dma.local [hbm:s3], $0xF7A  }
0x26: {  	[smem:$0x3F9F] =	sst s1;
	(tag) =	ssettag s2;
	_ =	strace s9  }
0x27: {  	s1 =	sld [smem:$0x3FAF]  }
0x28: {  	s2 =	sld [smem:$0x3FB0]  }
0x29: {  	s4 =	sld [smem:$0x3FB2]  }
0x2a: {  	p0 =	seq.s32 s5, $0x0;
	s5 =	sld [smem:$0x3FB3]  }
0x2b: {  	s6 =	sld [smem:$0x3FB4]  }
0x2c: {  	s7 =	sld [smem:$0x3FB5]  }
0x2d: {  	s3 =	simm.s32 $0x108;
	s8 =	sld [smem:$0x3FB6]  }
0x2e: {  	s3 =	simm.s32 @!p0 $0x1082;
	s9 =	sld [smem:$0x3FB7]  }
0x2f: {  	lr =	sadd.s32 s0, s3;
	s0 =	sld [smem:$0x3FAE]  }
0x30: {  	s3 =	sld [smem:$0x3FB1]  }
0x31: {  	[smem:$0x3FBA] =	sst s10  }
0x32: {  	s10 =	sld [smem:$0x3FB8];
	_ =	sdelay $0x3  }
0x33: {  	p0 =	seq.s32 s10, $0x1;
	s10 =	sld [smem:$0x3FBA];
	_ =	sdelay $0x3  }
0x34: {  	[smem:$0x3FBA] =	sst s10  }
0x35: {  	s10 =	sld [smem:$0x3FB9];
	_ =	sdelay $0x3  }
0x36: {  	p1 =	seq.s32 s10, $0x1;
	s10 =	sld [smem:$0x3FBA];
	_ =	sdelay $0x3  }
0x37: {  	[smem:$0x3FBA] =	sst s10  }
0x38: {  	s10 =	sld [smem:$0x3FBB]  }
0x39: {  	_ = 	snop;
	(pc) =	sbr.ind lr, $3  }
0x3a: {  	_ = 	snop  }
0x3b: {  	_ = 	snop  }
0x3c: {  	p2 =	seq.s32 s10, $0x1;
	s10 =	sld [smem:$0x3FBA]  }
0x3d: {  	_ =	shalt  }
0x3e: {  	_ =	shalt  }
0x3f: {  	_ =	shalt  }
0x40: {  	_ =	shalt  }
0x41: {  	_ =	shalt  }
0x42: {  	_ =	shalt  }
0x43: {  	_ =	shalt  }
0x44: {  	_ =	shalt  }
0x45: {  	_ =	shalt  }
0x46: {  	_ =	shalt  }
0x47: {  	_ =	shalt  }
0x48: {  	_ =	shalt  }
0x49: {  	_ =	shalt  }
0x4a: {  	_ =	shalt  }
0x4b: {  	_ =	shalt  }
0x4c: {  	_ =	shalt  }
0x4d: {  	_ =	shalt  }
0x4e: {  	_ =	shalt  }
0x4f: {  	_ =	shalt  }
0x50: {  	_ =	shalt  }
0x51: {  	_ =	shalt  }
0x52: {  	_ =	shalt  }
0x53: {  	_ =	shalt  }
0x54: {  	_ =	shalt  }
0x55: {  	_ =	shalt  }
0x56: {  	_ =	shalt  }
0x57: {  	_ =	shalt  }
0x58: {  	_ =	shalt  }
0x59: {  	_ =	shalt  }
0x5a: {  	_ =	shalt  }
0x5b: {  	_ =	shalt  }
0x5c: {  	_ =	shalt  }
0x5d: {  	_ =	shalt  }
0x5e: {  	_ =	shalt  }
0x5f: {  	_ =	shalt  }
0x60: {  	_ =	shalt  }
0x61: {  	_ =	shalt  }
0x62: {  	_ =	shalt  }
0x63: {  	_ =	shalt  }
0x64: {  	_ =	shalt  }
0x65: {  	_ =	shalt  }
0x66: {  	_ =	shalt  }
0x67: {  	_ =	shalt  }
0x68: {  	_ =	shalt  }
0x69: {  	_ =	shalt  }
0x6a: {  	_ =	shalt  }
0x6b: {  	_ =	shalt  }
0x6c: {  	_ =	shalt  }
0x6d: {  	_ =	shalt  }
0x6e: {  	_ =	shalt  }
0x6f: {  	_ =	shalt  }
0x70: {  	_ =	shalt  }
0x71: {  	_ =	shalt  }
0x72: {  	_ =	shalt  }
0x73: {  	_ =	shalt  }
0x74: {  	_ =	shalt  }
0x75: {  	_ =	shalt  }
0x76: {  	_ =	shalt  }
0x77: {  	_ =	shalt  }
0x78: {  	_ =	shalt  }
0x79: {  	_ =	shalt  }
0x7a: {  	_ =	shalt  }
0x7b: {  	_ =	shalt  }
0x7c: {  	_ =	shalt  }
0x7d: {  	_ =	shalt  }
0x7e: {  	_ =	shalt  }
0x7f: {  	_ =	shalt  }
0x80: {  	_ =	shalt  }
0x81: {  	_ =	shalt  }
0x82: {  	_ =	shalt  }
0x83: {  	_ =	shalt  }
0x84: {  	_ =	shalt  }
0x85: {  	_ =	shalt  }
0x86: {  	_ =	shalt  }
0x87: {  	_ =	shalt  }
.Lfunc_end0:
.L_simem_size_0:
called_computation_lowered:
.L_overlay_start_0:
0x88: {  	s2 =	sld [smem:$0x3FD9]  }
0x89: {  	s3 =	sld [smem:$0x3FFE];
	_ =	sdelay $0x1  }
0x8a: {  	s1 =	srdreg.scid  }
0x8b: {  	s0 =	sand.u32 $0x1, s1  }
0x8c: {  	s17 =	sshll.u32 s0, $0xA;
	s2 =	sadd.s32 s3, s2  }
0x8d: {  	s2 =	sadd.s32 s2, s17  }
0x8e: {  	[smem:$0x3FC6] =	sst s2  }
0x8f: {  	_ = 	snop  }
0x90: {  	s2 =	sld [smem:$0x3FD0];
	(tm) =	ssettm $0x1  }
0x91: {  	s18 =	sld [smem:$0x3FFB];
	_ =	sdelay $0x3  }
0x92: {  	_ =	strace s18  }
0x93: {  	s3 =	sld [smem:$0x3FFC];
	_ =	sdelay $0x3  }
0x94: {  	_ =	strace s3  }
0x95: {  	s3 =	sld [smem:$0x3FFD];
	_ =	sdelay $0x3  }
0x96: {  	_ =	strace s3  }
0x97: {  	_ =	strace $0x8FFFFFFF  }
0x98: {  	s19 =	sld [smem:$0x3FDB];
	_ =	sdelay $0x1  }
0x99: {  	s4 =	simm.s32 $_scs_section_size  }
0x9a: {  	s5 =	simm.s32 $_size__tile_overlayer_lowered;
	s6 =	simm.s32 $_tile_overlayer_lowered  }
0x9b: {  	s22 =	simm.s32 $0x1BFF;
	s21 =	sshll.u32 s6, $0x1;
	s3 =	sadd.s32 s4, s19  }
0x9c: {  	s7 =	simm.s32 $0x0;
	s20 =	sshll.u32 s5, $0x1;
	s5 =	sadd.s32 s21, s3  }
0x9d: {  	[timem:s7], [sflag:s22] =	dma.local [hbm:s5], s20  }
0x9e: {  	_ =	swait.ge [sflag:s22], s20  }
0x9f: {  	s4 =	ssub.s32 $0x0, s20;
	[sflag:s22] =	ssyncset.done $0x0  }
0xa0: {  	[sflag:s22] =	ssyncadd.s32 s4;
	_ =	sdelay $0x1  }
0xa1: {  	s23 =	simm.s32 $0x1B8B  }
0xa2: {  	_ =	swait.ge [sflag:s23], $0x1  }
0xa3: {  	[sflag:s23] =	ssyncset.done $0x0  }
0xa4: {  	s25 =	simm.s32 $0x1B8E;
	s24 =	sld [smem:$0x3FFE];
	[sflag:s23] =	ssyncadd.s32 $0xFFFFFFFF  }
0xa5: {  	s26 =	simm.s32 $execute0_lowered;
	[smem:$0x3FD2] =	sst s25  }
0xa6: {  	s5 =	sshll.u32 s26, $0x1;
	_ =	strace $0x80000046;
	[dreg:$0x1] =	wrdreg $0xFFFFFFFF  }
0xa7: {  	s28 =	simm.s32 $_size_execute0_lowered;
	s3 =	sadd.s32 s3, s5;
	[dreg:$0x0] =	wrdreg $0x0  }
0xa8: {  	s5 =	sshll.u32 s28, $0x1;
	[dreg:$0x2] =	wrdreg s3  }
0xa9: {  	[dreg:$0x3] =	wrdreg s5  }
0xaa: {  	[dreg:$0x4] =	wrdreg $0xC0  }
0xab: {  	_ =	task [dreg:s7], $0x5FFFF  }
0xac: {  	[dreg:$0x1] =	wrdreg $0xFFFFFFFF  }
0xad: {  	[dreg:$0x0] =	wrdreg $0x60  }
0xae: {  	[dreg:$0x2] =	wrdreg s24  }
0xaf: {  	[dreg:$0x3] =	wrdreg s2  }
0xb0: {  	[dreg:$0x4] =	wrdreg $0x9  }
0xb1: {  	_ =	task.clear_ibuf [dreg:s7], $0x5FFFF;
	_ =	strace $0x90000046  }
0xb2: {  	s29 =	simm.s32 $0x9;
	_ =	strace $0x80000048  }
0xb3: {  	_ =	swait.ge [sflag:s29], $0x1  }
0xb4: {  	[sflag:s29] =	ssyncadd.s32 $0xFFFFFFFF  }
0xb5: {  	_ =	strace $0x90000048  }
0xb6: {  	_ =	sfence  }
0xb7: {  	s30 =	sld [smem:$0x0];
	_ =	sdelay $0x2  }
0xb8: {  	s31 =	sshll.u32 s1, $0xD;
	s1 =	sshrl.u32 s1, $0x2  }
0xb9: {  	s3 =	sand.u32 $0x4000, s31;
	s1 =	sadd.s32 s1, s30  }
0xba: {  	s0 =	sor.u32 s3, s0;
	s1 =	sshll.u32 s1, $0x11  }
0xbb: {  	s0 =	sor.u32 s1, s0  }
0xbc: {  	s0 =	sadd.s32 $0x8F2B, s0  }
0xbd: {  	[sflag:s0] =	ssyncadd.remote.s32 $0x1  }
0xbe: {  	_ =	sfence.sel $0xFFFF  }
0xbf: {  	[dreg:$0x0] =	wrdreg $0xFFFFFFFF;
	(pc) =	sbr.abs _section_cstart, $3  }
0xc0: {  	[dreg:$0x1] =	wrdreg $0xFFFFFFFF  }
0xc1: {  	_ =	task.clear_ibuf [dreg:s7], $0x2FFFF;
	_ =	strace $0x9FFFFFFF  }
0xc2: {  	(tm) =	ssettm $0x7FFFFFFF  }
0xc3: {  	_ =	shalt  }
tec
execute0_lowered:
.L_overlay_start_1:
0x0: {  	(tag) =	ssettag $0x1  }
0x1: {  	s1 =	srdreg.scid;
	s0 =	stileid.u32  }
0x2: {  	s28 =	sand.u32 $0x1, s1;
	s31 =	sshll.u32 s0, $0x1  }
0x3: {  	s1 =	sor.u32 s28, s31  }
0x4: {  	s1 =	smul.u32 $0xC40, s1  }
0x5: {  	s2 =	rddreg [dreg:$0x0]  }
0x6: {  	s12 =	rddreg [dreg:$0x1];
	s3 =	simm.s32 $0x0;
	s13 =	smin.u32 s1, $0x17A60  }
0x7: {  	[smem:$0x7FF] =	sst s3;
	s4 =	sshrl.u32 s13, $0x4  }
0x8: {  	s1 =	rddreg [dreg:$0x2];
	s6 =	sadd.s32 s4, s2  }
0x9: {  	_ =	strace $0x80000047;
	s4 =	simm.s32 $0x3;
	s5 =	sadd.s32 $0x7C0000, s6  }
0xa: {  	[tilespmem:s3], [sflag:$0x3] =	stream.linear.gather [hbm4b:s5+s3], $0x620, $0x38;
	[tilespmem:$0xD040] =	vst v63  }
0xb: {  	_ =	swait.ge [sflag:s4], $0x620  }
0xc: {  	[sflag:s4] =	ssyncset.done $0x0  }
0xd: {  	s7 =	simm.s32 $0x620;
	s6 =	sadd.s32 $0x7C186A, s6;
	[sflag:s4] =	ssyncadd.s32 $0xFFFFF9E0  }
0xe: {  	[tilespmem:s7], [sflag:$0x3] =	stream.linear.gather [hbm4b:s6+s3], $0x620, $0x38;
	[tilespmem:$0xD040] =	vst v63  }
0xf: {  	_ =	swait.ge [sflag:s4], $0x620  }
0x10: {  	[sflag:s4] =	ssyncset.done $0x0  }
0x11: {  	s8 =	simm.s32 $0x188;
	s9 =	simm.s32 $0xC40;
	[sflag:s4] =	ssyncadd.s32 $0xFFFFF9E0  }
0x12: {  	[tilespmem:s9], [sflag:$0x1] =	stream.indirect.gather [hbm4b:s2+s8], $0x40, s3, s8, $0xb8;
	[tilespmem:$0xD040] =	vst v63  }
0x13: {  	s10 =	simm.s32 $0x6E40;
	s11 =	simm.s32 $0x1  }
0x14: {  	[tilespmem:s10], [sflag:$0x2] =	stream.indirect.gather [hbm4b:s2+s8], $0x40, s7, s8, $0xb8;
	[tilespmem:$0xD040] =	vst v63  }
0x15: {  	_ =	swait.ge [sflag:s11], $0x6200  }
0x16: {  	s14 =	simm.s32 $0x80;
	s13 =	sshll.u32 s13, $0x3;
	[sflag:s11] =	ssyncset.done $0x0  }
0x17: {  	s12 =	sadd.s32 s12, s13;
	s13 =	simm.s32 $0x40;
	[sflag:s11] =	ssyncadd.s32 $0xFFFF9E00  }
0x18: {  	[hbm4b:s12+s13] =	stream.strided.scatter [tilespmem:s9], [sflag:$0x3], $0x6200, s14, s13, $0x38;
	[tilespmem:$0xD040] =	vst v63  }
0x19: {  	_ =	swait.ge [sflag:s4], $0x6200  }
0x1a: {  	[sflag:s4] =	ssyncset.done $0x0  }
0x1b: {  	s15 =	simm.s32 $0x2;
	[sflag:s4] =	ssyncadd.s32 $0xFFFF9E00  }
0x1c: {  	[tilespmem:s9], [sflag:$0x1] =	stream.indirect.gather [hbm4b:s2+s8], $0x40, s8, s8, $0xb8;
	[tilespmem:$0xD040] =	vst v63  }
0x1d: {  	_ =	swait.ge [sflag:s15], $0x6200  }
0x1e: {  	[sflag:s15] =	ssyncset.done $0x0  }
0x1f: {  	s16 =	sadd.s32 $0x8, s12;
	[sflag:s15] =	ssyncadd.s32 $0xFFFF9E00  }
0x20: {  	[hbm4b:s16+s13] =	stream.strided.scatter [tilespmem:s10], [sflag:$0x3], $0x6200, s14, s13, $0x38;
	[tilespmem:$0xD040] =	vst v63  }
0x21: {  	_ =	swait.ge [sflag:s4], $0x6200  }
0x22: {  	[sflag:s4] =	ssyncset.done $0x0  }
0x23: {  	s17 =	simm.s32 $0x7A8;
	[sflag:s4] =	ssyncadd.s32 $0xFFFF9E00  }
0x24: {  	[tilespmem:s10], [sflag:$0x2] =	stream.indirect.gather [hbm4b:s2+s8], $0x40, s17, s8, $0xb8;
	[tilespmem:$0xD040] =	vst v63  }
0x25: {  	_ =	swait.ge [sflag:s11], $0x6200  }
0x26: {  	[sflag:s11] =	ssyncset.done $0x0  }
0x27: {  	s18 =	sadd.s32 $0x1880, s12;
	[sflag:s11] =	ssyncadd.s32 $0xFFFF9E00  }
0x28: {  	[hbm4b:s18+s13] =	stream.strided.scatter [tilespmem:s9], [sflag:$0x3], $0x6200, s14, s13, $0x38;
	[tilespmem:$0xD040] =	vst v63  }
0x29: {  	_ =	swait.ge [sflag:s4], $0x6200  }
0x2a: {  	[sflag:s4] =	ssyncset.done $0x0  }
0x2b: {  	s19 =	simm.s32 $0x310;
	[sflag:s4] =	ssyncadd.s32 $0xFFFF9E00  }
0x2c: {  	[tilespmem:s9], [sflag:$0x1] =	stream.indirect.gather [hbm4b:s2+s8], $0x40, s19, s8, $0xb8;
	[tilespmem:$0xD040] =	vst v63  }
0x2d: {  	_ =	swait.ge [sflag:s15], $0x6200  }
0x2e: {  	[sflag:s15] =	ssyncset.done $0x0  }
0x2f: {  	s20 =	sadd.s32 $0x1888, s12;
	[sflag:s15] =	ssyncadd.s32 $0xFFFF9E00  }
0x30: {  	[hbm4b:s20+s13] =	stream.strided.scatter [tilespmem:s10], [sflag:$0x3], $0x6200, s14, s13, $0x38;
	[tilespmem:$0xD040] =	vst v63  }
0x31: {  	_ =	swait.ge [sflag:s4], $0x6200  }
0x32: {  	[sflag:s4] =	ssyncset.done $0x0  }
0x33: {  	s21 =	simm.s32 $0x930;
	[sflag:s4] =	ssyncadd.s32 $0xFFFF9E00  }
0x34: {  	[tilespmem:s10], [sflag:$0x2] =	stream.indirect.gather [hbm4b:s2+s8], $0x40, s21, s8, $0xb8;
	[tilespmem:$0xD040] =	vst v63  }
0x35: {  	_ =	swait.ge [sflag:s11], $0x6200  }
0x36: {  	[sflag:s11] =	ssyncset.done $0x0  }
0x37: {  	s22 =	sadd.s32 $0x3100, s12;
	[sflag:s11] =	ssyncadd.s32 $0xFFFF9E00  }
0x38: {  	[hbm4b:s22+s13] =	stream.strided.scatter [tilespmem:s9], [sflag:$0x3], $0x6200, s14, s13, $0x38;
	[tilespmem:$0xD040] =	vst v63  }
0x39: {  	_ =	swait.ge [sflag:s4], $0x6200  }
0x3a: {  	[sflag:s4] =	ssyncset.done $0x0  }
0x3b: {  	s23 =	simm.s32 $0x498;
	[sflag:s4] =	ssyncadd.s32 $0xFFFF9E00  }
0x3c: {  	[tilespmem:s9], [sflag:$0x1] =	stream.indirect.gather [hbm4b:s2+s8], $0x40, s23, s8, $0xb8;
	[tilespmem:$0xD040] =	vst v63  }
0x3d: {  	_ =	swait.ge [sflag:s15], $0x6200  }
0x3e: {  	[sflag:s15] =	ssyncset.done $0x0  }
0x3f: {  	s24 =	sadd.s32 $0x3108, s12;
	[sflag:s15] =	ssyncadd.s32 $0xFFFF9E00  }
0x40: {  	[hbm4b:s24+s13] =	stream.strided.scatter [tilespmem:s10], [sflag:$0x3], $0x6200, s14, s13, $0x38;
	[tilespmem:$0xD040] =	vst v63  }
0x41: {  	_ =	swait.ge [sflag:s4], $0x6200  }
0x42: {  	[sflag:s4] =	ssyncset.done $0x0  }
0x43: {  	s25 =	simm.s32 $0xAB8;
	[sflag:s4] =	ssyncadd.s32 $0xFFFF9E00  }
0x44: {  	[tilespmem:s10], [sflag:$0x2] =	stream.indirect.gather [hbm4b:s2+s8], $0x40, s25, s8, $0xb8;
	[tilespmem:$0xD040] =	vst v63  }
0x45: {  	_ =	swait.ge [sflag:s11], $0x6200  }
0x46: {  	[sflag:s11] =	ssyncset.done $0x0  }
0x47: {  	s28 =	ssub.s32 $0x2, s28;
	s26 =	sadd.s32 $0x4980, s12;
	[sflag:s11] =	ssyncadd.s32 $0xFFFF9E00  }
0x48: {  	[hbm4b:s26+s13] =	stream.strided.scatter [tilespmem:s9], [sflag:$0x3], $0x6200, s14, s13, $0x38;
	[tilespmem:$0xD040] =	vst v63  }
0x49: {  	s29 =	sshrl.u32 s28, $0x1;
	_ =	swait.ge [sflag:s4], $0x6200  }
0x4a: {  	s28 =	ssub.s32 s28, s29;
	[sflag:s4] =	ssyncset.done $0x0  }
0x4b: {  	s29 =	smax.u32 s28, $0x1;
	[sflag:s4] =	ssyncadd.s32 $0xFFFF9E00  }
0x4c: {  	p0 =	sne.s32 s29, $0x1;
	_ =	swait.ge [sflag:s15], $0x6200  }
.Ltmp0:
0x4d: {  	[sflag:s15] =	ssyncset.done $0x0;
	(pc) =	sbr.rel @!p0 .LBB2_2-.Ltmp0, $4  }
0x4e: {  	s28 =	sadd.s32 $0x4988, s12;
	[sflag:s15] =	ssyncadd.s32 $0xFFFF9E00  }
0x4f: {  	[hbm4b:s28+s13] =	stream.strided.scatter [tilespmem:s10], [sflag:$0x3], $0x6200, s14, s13, $0x38;
	[tilespmem:$0xD040] =	vst v63  }
0x50: {  	_ =	swait.ge [sflag:s4], $0x6200  }
0x51: {  	s29 =	sadd.s32 $0xFFFFFFFF, s29;
	[sflag:s4] =	ssyncset.done $0x0  }
.LBB2_1:
0x52: {  	p0 =	sne.s32 s29, $0x1;
	s29 =	sadd.s32 $0xFFFFFFFF, s29;
	[sflag:s4] =	ssyncadd.s32 $0xFFFF9E00  }
0x53: {  	[tilespmem:s3], [sflag:$0x3] =	stream.linear.gather [hbm4b:s5+s3], $0x620, $0x38;
	[tilespmem:$0xD040] =	vst v63  }
0x54: {  	_ =	swait.ge [sflag:s4], $0x620  }
0x55: {  	[sflag:s4] =	ssyncset.done $0x0  }
0x56: {  	[sflag:s4] =	ssyncadd.s32 $0xFFFFF9E0  }
0x57: {  	[tilespmem:s7], [sflag:$0x3] =	stream.linear.gather [hbm4b:s6+s3], $0x620, $0x38;
	[tilespmem:$0xD040] =	vst v63  }
0x58: {  	_ =	swait.ge [sflag:s4], $0x620  }
0x59: {  	[sflag:s4] =	ssyncset.done $0x0  }
0x5a: {  	[sflag:s4] =	ssyncadd.s32 $0xFFFFF9E0  }
0x5b: {  	[tilespmem:s9], [sflag:$0x1] =	stream.indirect.gather [hbm4b:s2+s8], $0x40, s3, s8, $0xb8;
	[tilespmem:$0xD040] =	vst v63  }
0x5c: {  	_ = 	snop  }
0x5d: {  	[tilespmem:s10], [sflag:$0x2] =	stream.indirect.gather [hbm4b:s2+s8], $0x40, s7, s8, $0xb8;
	[tilespmem:$0xD040] =	vst v63  }
0x5e: {  	_ =	swait.ge [sflag:s11], $0x6200  }
0x5f: {  	[sflag:s11] =	ssyncset.done $0x0  }
0x60: {  	[sflag:s11] =	ssyncadd.s32 $0xFFFF9E00  }
0x61: {  	[hbm4b:s12+s13] =	stream.strided.scatter [tilespmem:s9], [sflag:$0x3], $0x6200, s14, s13, $0x38;
	[tilespmem:$0xD040] =	vst v63  }
0x62: {  	_ =	swait.ge [sflag:s4], $0x6200  }
0x63: {  	[sflag:s4] =	ssyncset.done $0x0  }
0x64: {  	[sflag:s4] =	ssyncadd.s32 $0xFFFF9E00  }
0x65: {  	[tilespmem:s9], [sflag:$0x1] =	stream.indirect.gather [hbm4b:s2+s8], $0x40, s8, s8, $0xb8;
	[tilespmem:$0xD040] =	vst v63  }
0x66: {  	_ =	swait.ge [sflag:s15], $0x6200  }
0x67: {  	[sflag:s15] =	ssyncset.done $0x0  }
0x68: {  	[sflag:s15] =	ssyncadd.s32 $0xFFFF9E00  }
0x69: {  	[hbm4b:s16+s13] =	stream.strided.scatter [tilespmem:s10], [sflag:$0x3], $0x6200, s14, s13, $0x38;
	[tilespmem:$0xD040] =	vst v63  }
0x6a: {  	_ =	swait.ge [sflag:s4], $0x6200  }
0x6b: {  	[sflag:s4] =	ssyncset.done $0x0  }
0x6c: {  	[sflag:s4] =	ssyncadd.s32 $0xFFFF9E00  }
0x6d: {  	[tilespmem:s10], [sflag:$0x2] =	stream.indirect.gather [hbm4b:s2+s8], $0x40, s17, s8, $0xb8;
	[tilespmem:$0xD040] =	vst v63  }
0x6e: {  	_ =	swait.ge [sflag:s11], $0x6200  }
0x6f: {  	[sflag:s11] =	ssyncset.done $0x0  }
0x70: {  	[sflag:s11] =	ssyncadd.s32 $0xFFFF9E00  }
0x71: {  	[hbm4b:s18+s13] =	stream.strided.scatter [tilespmem:s9], [sflag:$0x3], $0x6200, s14, s13, $0x38;
	[tilespmem:$0xD040] =	vst v63  }
0x72: {  	_ =	swait.ge [sflag:s4], $0x6200  }
0x73: {  	[sflag:s4] =	ssyncset.done $0x0  }
0x74: {  	[sflag:s4] =	ssyncadd.s32 $0xFFFF9E00  }
0x75: {  	[tilespmem:s9], [sflag:$0x1] =	stream.indirect.gather [hbm4b:s2+s8], $0x40, s19, s8, $0xb8;
	[tilespmem:$0xD040] =	vst v63  }
0x76: {  	_ =	swait.ge [sflag:s15], $0x6200  }
0x77: {  	[sflag:s15] =	ssyncset.done $0x0  }
0x78: {  	[sflag:s15] =	ssyncadd.s32 $0xFFFF9E00  }
0x79: {  	[hbm4b:s20+s13] =	stream.strided.scatter [tilespmem:s10], [sflag:$0x3], $0x6200, s14, s13, $0x38;
	[tilespmem:$0xD040] =	vst v63  }
0x7a: {  	_ =	swait.ge [sflag:s4], $0x6200  }
0x7b: {  	[sflag:s4] =	ssyncset.done $0x0  }
0x7c: {  	[sflag:s4] =	ssyncadd.s32 $0xFFFF9E00  }
0x7d: {  	[tilespmem:s10], [sflag:$0x2] =	stream.indirect.gather [hbm4b:s2+s8], $0x40, s21, s8, $0xb8;
	[tilespmem:$0xD040] =	vst v63  }
0x7e: {  	_ =	swait.ge [sflag:s11], $0x6200  }
0x7f: {  	[sflag:s11] =	ssyncset.done $0x0  }
0x80: {  	[sflag:s11] =	ssyncadd.s32 $0xFFFF9E00  }
0x81: {  	[hbm4b:s22+s13] =	stream.strided.scatter [tilespmem:s9], [sflag:$0x3], $0x6200, s14, s13, $0x38;
	[tilespmem:$0xD040] =	vst v63  }
0x82: {  	_ =	swait.ge [sflag:s4], $0x6200  }
0x83: {  	[sflag:s4] =	ssyncset.done $0x0  }
0x84: {  	[sflag:s4] =	ssyncadd.s32 $0xFFFF9E00  }
0x85: {  	[tilespmem:s9], [sflag:$0x1] =	stream.indirect.gather [hbm4b:s2+s8], $0x40, s23, s8, $0xb8;
	[tilespmem:$0xD040] =	vst v63  }
0x86: {  	_ =	swait.ge [sflag:s15], $0x6200  }
0x87: {  	[sflag:s15] =	ssyncset.done $0x0  }
0x88: {  	[sflag:s15] =	ssyncadd.s32 $0xFFFF9E00  }
0x89: {  	[hbm4b:s24+s13] =	stream.strided.scatter [tilespmem:s10], [sflag:$0x3], $0x6200, s14, s13, $0x38;
	[tilespmem:$0xD040] =	vst v63  }
0x8a: {  	_ =	swait.ge [sflag:s4], $0x6200  }
0x8b: {  	[sflag:s4] =	ssyncset.done $0x0  }
0x8c: {  	[sflag:s4] =	ssyncadd.s32 $0xFFFF9E00  }
0x8d: {  	[tilespmem:s10], [sflag:$0x2] =	stream.indirect.gather [hbm4b:s2+s8], $0x40, s25, s8, $0xb8;
	[tilespmem:$0xD040] =	vst v63  }
0x8e: {  	_ =	swait.ge [sflag:s11], $0x6200  }
0x8f: {  	[sflag:s11] =	ssyncset.done $0x0  }
0x90: {  	[sflag:s11] =	ssyncadd.s32 $0xFFFF9E00  }
0x91: {  	[hbm4b:s26+s13] =	stream.strided.scatter [tilespmem:s9], [sflag:$0x3], $0x6200, s14, s13, $0x38;
	[tilespmem:$0xD040] =	vst v63  }
0x92: {  	_ =	swait.ge [sflag:s4], $0x6200  }
0x93: {  	[sflag:s4] =	ssyncset.done $0x0  }
0x94: {  	[sflag:s4] =	ssyncadd.s32 $0xFFFF9E00  }
0x95: {  	_ =	swait.ge [sflag:s15], $0x6200  }
.Ltmp1:
0x96: {  	[sflag:s15] =	ssyncset.done $0x0;
	(pc) =	sbr.rel @p0 .LBB2_1-.Ltmp1, $4  }
0x97: {  	[sflag:s15] =	ssyncadd.s32 $0xFFFF9E00  }
0x98: {  	[hbm4b:s28+s13] =	stream.strided.scatter [tilespmem:s10], [sflag:$0x3], $0x6200, s14, s13, $0x38;
	[tilespmem:$0xD040] =	vst v63  }
0x99: {  	_ =	swait.ge [sflag:s4], $0x6200  }
0x9a: {  	[sflag:s4] =	ssyncset.done $0x0  }
.LBB2_2:
0x9b: {  	[sflag:s4] =	ssyncadd.s32 $0xFFFF9E00  }
0x9c: {  	_ =	sfence.sel $0x180000  }
0x9d: {  	[bflag:$0x0] =	sbarrier.arrive $0xFFFF  }
0x9e: {  	p0 =	sne.s32 s0, $0x0;
	_ =	strace $0x90000047  }
0x9f: {  	s0 =	sadd.s32 @!p0 $0x100000, s1;
	[bflag:$0x2] =	sbarrier.arrive $0xFFFF  }
0xa0: {  	[sflag:s0] =	ssyncadd.tile.s32 @!p0 $0x1;
	_ =	shalt  }
.Lfunc_end2:
_tile_overlayer_lowered:
.L_overlay_start_2:
0xa1: {  	(tag) =	ssettag $0x2  }
0xa2: {  	s0 =	rddreg [dreg:$0x0];
	s2 =	stileid.u32  }
0xa3: {  	s1 =	rddreg [dreg:$0x1];
	p0 =	sne.s32 s2, $0x0  }
0xa4: {  	s3 =	rddreg [dreg:$0x2];
	[bflag:$0x3] =	sbarrier.arrive $0xFFFF;
	s2 =	simm.s32 @!p0 $0x1C03  }
0xa5: {  	[timem:s3], [sflag:s2] =	dma.local @!p0 [hbm:s0], s1  }
0xa6: {  	s0 =	simm.s32 @!p0 $0x3  }
0xa7: {  	_ =	swait.ge @!p0 [sflag:s0], s1  }
0xa8: {  	s1 =	ssub.s32 @!p0 $0x0, s1;
	[sflag:s0] =	ssyncset.done @!p0 $0x0  }
0xa9: {  	[sflag:s0] =	ssyncadd.s32 @!p0 s1  }
0xaa: {  	[bflag:$0x3] =	sbarrier.arrive $0xFFFF  }
0xab: {  	_ =	shalt  }

</sc_bundles>
